<compile_context>
chip_gen: v7x
topology: tpu7x:2x2x1
jax: 0.10.2.dev20260603
libtpu: 0.0.44.dev20260713+nightly
codegen_flags: <defaults>
</compile_context>

<pallas_src>
import jax
import jax.numpy as jnp
from jax import lax
from jax.experimental import pallas as pl
from jax.experimental.pallas import tpu as pltpu
from jax.experimental.pallas import tpu_sc as plsc

B, N, E, D = 64, 512, 2048, 128
TOUT = N + E + 3
NC, NS, L = 2, 16, 16
NW = NC * NS
BPW = B // NW
C = 128
NODE_CHUNKS = N // C
EDGE_CHUNKS = E // C
ND = D // L


def _splat(x):
    return jnp.full((L,), x, jnp.int32)


def _body(node_feat, edge_feat, edge_index, etype_ids, token_ids,
          wn_hbm, we_hbm, nb_hbm, comb_hbm, spec_hbm, token_tab,
          out,
          wn_v, we_v, nb_v, comb_v, spec_v,
          featv, tidv, etv, srcv, dstv, cidxv,
          gbuf, tokv, nodebuf, tailv, sem):
    cid = lax.axis_index("c")
    sid = lax.axis_index("s")
    wid = sid * NC + cid

    pltpu.sync_copy(wn_hbm, wn_v)
    pltpu.sync_copy(we_hbm, we_v)
    pltpu.sync_copy(nb_hbm, nb_v)
    pltpu.sync_copy(comb_hbm, comb_v)
    pltpu.sync_copy(spec_hbm, spec_v)

    iota = lax.iota(jnp.int32, L)

    def batch_body(bi, _):
        b = wid * BPW + bi

        for d in range(ND):
            nodebuf[0, pl.ds(d * L, L)] = spec_v[0, pl.ds(d * L, L)]

        def node_chunk(ci, _):
            base = b * N + ci * C
            pltpu.sync_copy(node_feat.at[pl.ds(base, C)], featv)

            def node_row(r, _):
                f = [plsc.load_gather(featv, [_splat(r), _splat(k)])
                     for k in range(4)]
                for d in range(ND):
                    acc = nb_v[pl.ds(d * L, L)]
                    for k in range(4):
                        acc = acc + f[k] * wn_v[k, pl.ds(d * L, L)]
                    nodebuf[r + 1, pl.ds(d * L, L)] = acc
                return 0

            lax.fori_loop(0, C, node_row, 0)
            pltpu.sync_copy(nodebuf.at[pl.ds(0, C)],
                            out.at[b, pl.ds(ci * C, C)])
            for d in range(ND):
                nodebuf[0, pl.ds(d * L, L)] = nodebuf[C, pl.ds(d * L, L)]
            return 0

        lax.fori_loop(0, NODE_CHUNKS, node_chunk, 0)

        for d in range(ND):
            tokv[0, pl.ds(d * L, L)] = nodebuf[0, pl.ds(d * L, L)]

        def edge_chunk(ci, _):
            base = b * E + ci * C
            pltpu.sync_copy(token_ids.at[pl.ds(base, C)], tidv)
            pltpu.sync_copy(etype_ids.at[pl.ds(base, C)], etv)
            pltpu.sync_copy(edge_index.at[0, pl.ds(base, C)], srcv)
            pltpu.sync_copy(edge_index.at[1, pl.ds(base, C)], dstv)
            pltpu.sync_copy(edge_feat.at[pl.ds(base, C)], featv)
            pltpu.async_copy(token_tab.at[tidv], gbuf, sem).wait()

            def cidx_group(g, _):
                et16 = etv[pl.ds(g * L, L)]
                s16 = srcv[pl.ds(g * L, L)]
                d16 = dstv[pl.ds(g * L, L)]
                cidxv[pl.ds(g * L, L)] = (
                    et16 * 2 + (s16 == d16).astype(jnp.int32))
                return 0

            lax.fori_loop(0, C // L, cidx_group, 0)

            def edge_row(r, _):
                f = [plsc.load_gather(featv, [_splat(r), _splat(k)])
                     for k in range(4)]
                cs = plsc.load_gather(cidxv, [_splat(r)])
                for d in range(ND):
                    tab = plsc.load_gather(comb_v, [cs, iota + d * L])
                    acc = gbuf[r, pl.ds(d * L, L)] + tab
                    for k in range(4):
                        acc = acc + f[k] * we_v[k, pl.ds(d * L, L)]
                    tokv[r + 1, pl.ds(d * L, L)] = acc
                return 0

            lax.fori_loop(0, C, edge_row, 0)
            pltpu.sync_copy(tokv.at[pl.ds(0, C)],
                            out.at[b, pl.ds(N + ci * C, C)])
            for d in range(ND):
                tokv[0, pl.ds(d * L, L)] = tokv[C, pl.ds(d * L, L)]
            return 0

        lax.fori_loop(0, EDGE_CHUNKS, edge_chunk, 0)

        for d in range(ND):
            tailv[0, pl.ds(d * L, L)] = tokv[0, pl.ds(d * L, L)]
            tailv[1, pl.ds(d * L, L)] = spec_v[1, pl.ds(d * L, L)]
            tailv[2, pl.ds(d * L, L)] = spec_v[2, pl.ds(d * L, L)]
        pltpu.sync_copy(tailv, out.at[b, pl.ds(N + E, 3)])
        return 0

    lax.fori_loop(0, BPW, batch_body, 0)


def kernel(node_feat, edge_feat, edge_index, etype_ids, token_ids,
           W_node, b_node, W_edge, b_edge, graph_tok, sep_tok,
           order_tab, etype_tab, token_tab):
    edge_index = edge_index.astype(jnp.int32)
    etype_ids = etype_ids.astype(jnp.int32)
    token_ids = token_ids.astype(jnp.int32)

    wn = jnp.asarray(W_node.T, jnp.float32)
    we = jnp.asarray(W_edge.T, jnp.float32)
    nb = (b_node + order_tab[2]).astype(jnp.float32)
    comb = (etype_tab[:, None, :]
            + (order_tab[1:3] + b_edge)[None, :, :]).reshape(8, D)
    spec = jnp.concatenate([graph_tok, sep_tok, order_tab[0:1]], axis=0)

    mesh = plsc.VectorSubcoreMesh(core_axis_name="c", subcore_axis_name="s",
                                  num_cores=NC, num_subcores=NS)
    run = pl.kernel(
        _body,
        out_type=jax.ShapeDtypeStruct((B, TOUT, D), jnp.float32),
        mesh=mesh,
        compiler_params=pltpu.CompilerParams(needs_layout_passes=False),
        scratch_types=[
            pltpu.VMEM((4, D), jnp.float32),
            pltpu.VMEM((4, D), jnp.float32),
            pltpu.VMEM((D,), jnp.float32),
            pltpu.VMEM((8, D), jnp.float32),
            pltpu.VMEM((3, D), jnp.float32),
            pltpu.VMEM((C, 4), jnp.float32),
            pltpu.VMEM((C,), jnp.int32),
            pltpu.VMEM((C,), jnp.int32),
            pltpu.VMEM((C,), jnp.int32),
            pltpu.VMEM((C,), jnp.int32),
            pltpu.VMEM((C,), jnp.int32),
            pltpu.VMEM((C, D), jnp.float32),
            pltpu.VMEM((C + 1, D), jnp.float32),
            pltpu.VMEM((C + 1, D), jnp.float32),
            pltpu.VMEM((3, D), jnp.float32),
            pltpu.SemaphoreType.DMA,
        ],
    )
    return run(node_feat, edge_feat, edge_index, etype_ids, token_ids,
               wn, we, nb, comb, spec, token_tab)

# --- scband reference (transcript-rebuilt; emitter-appended) ---
"""Pipeline reference for scband-finetune-embedding-55662776156393 (READ-ONLY COPY).

The authoritative reference and input builder live on the scoring server;
editing this copy changes nothing except your own understanding.
"""

import jax, jax.numpy as jnp
import numpy as np

B, N, E, D = 64, 512, 2048, 128
T = N + E + 2
TOKEN_VOCAB = 319389


def setup_inputs(seed: int = 0) -> dict:
    key = jax.random.key(seed)
    ks = jax.random.split(key, 12)
    s = 0.2 / np.sqrt(12.0)
    inp = {}
    inp["node_feat"] = jax.random.normal(ks[0], (B * N, 4), jnp.float32)
    inp["edge_feat"] = jax.random.normal(ks[1], (B * E, 4), jnp.float32)
    inp["edge_index"] = jax.random.randint(ks[2], (2, B * E), 0, N)
    inp["etype_ids"] = jax.random.randint(ks[3], (B * E,), 0, 4)
    inp["token_ids"] = jax.random.randint(ks[4], (B * E,), 0, TOKEN_VOCAB)
    inp["W_node"] = jax.random.normal(ks[5], (D, 4), jnp.float32) * s
    inp["b_node"] = jnp.zeros((D,), jnp.float32)
    inp["W_edge"] = jax.random.normal(ks[6], (D, 4), jnp.float32) * s
    inp["b_edge"] = jnp.zeros((D,), jnp.float32)
    inp["graph_tok"] = jax.random.normal(ks[7], (1, D), jnp.float32) * 0.02
    inp["sep_tok"] = jax.random.normal(ks[8], (1, D), jnp.float32) * 0.02
    inp["order_tab"] = jax.random.normal(ks[9], (3, D), jnp.float32) * 0.02
    inp["etype_tab"] = jax.random.normal(ks[10], (4, D), jnp.float32) * 0.02
    inp["token_tab"] = jax.random.normal(ks[11], (TOKEN_VOCAB, D), jnp.float32) * 0.02
    return inp


def reference(node_feat, edge_feat, edge_index, etype_ids, token_ids,
              W_node, b_node, W_edge, b_edge, graph_tok, sep_tok,
              order_tab, etype_tab, token_tab):
    # node/edge raw feature encoders (Linear(4 -> D))
    node_h = (node_feat @ W_node.T + b_node).reshape(B, N, D)
    edge_h = (edge_feat @ W_edge.T + b_edge).reshape(B, E, D)
    pad = jnp.zeros((B, 2, D), node_h.dtype)
    feat = jnp.concatenate([node_h, edge_h, pad], axis=1)  # [B, T, D]

    # padded_index [B, T, 2]: (i,i) for node tokens, (src,dst) for edge tokens
    node_idx = jnp.arange(N, dtype=jnp.int32)
    node_pairs = jnp.broadcast_to(jnp.stack([node_idx, node_idx], axis=-1)[None], (B, N, 2))
    edge_pairs = edge_index.astype(jnp.int32).reshape(2, B, E).transpose(1, 2, 0)  # [B, E, 2]
    pad_pairs = jnp.zeros((B, 2, 2), jnp.int32)
    padded_index = jnp.concatenate([node_pairs, edge_pairs, pad_pairs], axis=1)  # [B, T, 2]

    padding_mask = jnp.broadcast_to(jnp.arange(T)[None, :] >= (N + E), (B, T))

    # type (order) embedding: 1 for edges, 2 for nodes (self-pairs), 0 for padding
    order = (padded_index[..., 0] == padded_index[..., 1]).astype(jnp.int32) + 1
    order = jnp.where(padding_mask, 0, order)
    feat = feat + order_tab[order]

    # edge-type + token-id embedding lookups, added at edge token positions
    add = etype_tab[etype_ids].reshape(B, E, D) + token_tab[token_ids].reshape(B, E, D)
    feat = feat.at[:, N:N + E, :].add(add)

    # SEP token after the sequence, CLS (graph) token prepended
    feat = feat.at[:, N + E, :].set(sep_tok[0])
    out = jnp.concatenate([jnp.broadcast_to(graph_tok[None], (B, 1, D)), feat], axis=1)  # [B, T+1, D]
    return out

if __name__ == "__main__":
    import jax
    _d = setup_inputs()
    print(jax.jit(kernel)(*tuple(_d.values())))

</pallas_src>

<mosaic_0001>
#map = affine_map<(d0, d1) -> (0, 0)>
#map1 = affine_map<(d0, d1) -> (0)>
#map2 = affine_map<(d0, d1) -> (0, 0, 0)>
module attributes {stable_mosaic.version = 14 : i64} {
  func.func @_body(%arg0: i32, %arg1: i32, %arg2: memref<32768x4xf32, #tpu.memory_space<hbm>>, %arg3: memref<131072x4xf32, #tpu.memory_space<hbm>>, %arg4: memref<2x131072xi32, #tpu.memory_space<hbm>>, %arg5: memref<131072xi32, #tpu.memory_space<hbm>>, %arg6: memref<131072xi32, #tpu.memory_space<hbm>>, %arg7: memref<4x128xf32, #tpu.memory_space<hbm>>, %arg8: memref<4x128xf32, #tpu.memory_space<hbm>>, %arg9: memref<128xf32, #tpu.memory_space<hbm>>, %arg10: memref<8x128xf32, #tpu.memory_space<hbm>>, %arg11: memref<3x128xf32, #tpu.memory_space<hbm>>, %arg12: memref<319389x128xf32, #tpu.memory_space<hbm>>, %arg13: memref<64x2563x128xf32, #tpu.memory_space<hbm>>, %arg14: memref<4x128xf32, #tpu.memory_space<vmem>>, %arg15: memref<4x128xf32, #tpu.memory_space<vmem>>, %arg16: memref<128xf32, #tpu.memory_space<vmem>>, %arg17: memref<8x128xf32, #tpu.memory_space<vmem>>, %arg18: memref<3x128xf32, #tpu.memory_space<vmem>>, %arg19: memref<128x4xf32, #tpu.memory_space<vmem>>, %arg20: memref<128xi32, #tpu.memory_space<vmem>>, %arg21: memref<128xi32, #tpu.memory_space<vmem>>, %arg22: memref<128xi32, #tpu.memory_space<vmem>>, %arg23: memref<128xi32, #tpu.memory_space<vmem>>, %arg24: memref<128xi32, #tpu.memory_space<vmem>>, %arg25: memref<128x128xf32, #tpu.memory_space<vmem>>, %arg26: memref<129x128xf32, #tpu.memory_space<vmem>>, %arg27: memref<129x128xf32, #tpu.memory_space<vmem>>, %arg28: memref<3x128xf32, #tpu.memory_space<vmem>>, %arg29: memref<!tpu.dma_semaphore, #tpu.memory_space<semaphore_mem>>) attributes {dimension_semantics = [#tpu.dimension_semantics<core_parallel>, #tpu.dimension_semantics<subcore_parallel>], iteration_bounds = array<i64: 2, 16>, scalar_prefetch = 0 : i64, scratch_operands = 16 : i64, tpu.core_type = #tpu.core_type<sc_vector_subcore>, window_params = [{transform_indices = #map}, {transform_indices = #map}, {transform_indices = #map}, {transform_indices = #map1}, {transform_indices = #map1}, {transform_indices = #map}, {transform_indices = #map}, {transform_indices = #map1}, {transform_indices = #map}, {transform_indices = #map}, {transform_indices = #map}, {transform_indices = #map2}]} {
    %mul3A = arith.constant 2 : i32
    %mul3A_0 = arith.muli %arg1, %mul3A : i32
    %add3A = arith.addi %mul3A_0, %arg0 : i32
    "tpu.region"() ({
      %run_scoped3A = tpu.sem_alloc : memref<!tpu.dma_semaphore, #tpu.memory_space<semaphore_mem>>
      tpu.enqueue_dma source(%arg7 : memref<4x128xf32, #tpu.memory_space<hbm>>) target(%arg14 : memref<4x128xf32, #tpu.memory_space<vmem>>) target_semaphore(%run_scoped3A : memref<!tpu.dma_semaphore, #tpu.memory_space<semaphore_mem>>)
      tpu.wait_dma2 semaphore(%run_scoped3A : memref<!tpu.dma_semaphore, #tpu.memory_space<semaphore_mem>>) src(%arg7 : memref<4x128xf32, #tpu.memory_space<hbm>>) dst(%arg14 : memref<4x128xf32, #tpu.memory_space<vmem>>)
      tpu.yield
    }) : () -> ()
    "tpu.region"() ({
      %run_scoped3A = tpu.sem_alloc : memref<!tpu.dma_semaphore, #tpu.memory_space<semaphore_mem>>
      tpu.enqueue_dma source(%arg8 : memref<4x128xf32, #tpu.memory_space<hbm>>) target(%arg15 : memref<4x128xf32, #tpu.memory_space<vmem>>) target_semaphore(%run_scoped3A : memref<!tpu.dma_semaphore, #tpu.memory_space<semaphore_mem>>)
      tpu.wait_dma2 semaphore(%run_scoped3A : memref<!tpu.dma_semaphore, #tpu.memory_space<semaphore_mem>>) src(%arg8 : memref<4x128xf32, #tpu.memory_space<hbm>>) dst(%arg15 : memref<4x128xf32, #tpu.memory_space<vmem>>)
      tpu.yield
    }) : () -> ()
    "tpu.region"() ({
      %run_scoped3A = tpu.sem_alloc : memref<!tpu.dma_semaphore, #tpu.memory_space<semaphore_mem>>
      tpu.enqueue_dma source(%arg9 : memref<128xf32, #tpu.memory_space<hbm>>) target(%arg16 : memref<128xf32, #tpu.memory_space<vmem>>) target_semaphore(%run_scoped3A : memref<!tpu.dma_semaphore, #tpu.memory_space<semaphore_mem>>)
      tpu.wait_dma2 semaphore(%run_scoped3A : memref<!tpu.dma_semaphore, #tpu.memory_space<semaphore_mem>>) src(%arg9 : memref<128xf32, #tpu.memory_space<hbm>>) dst(%arg16 : memref<128xf32, #tpu.memory_space<vmem>>)
      tpu.yield
    }) : () -> ()
    "tpu.region"() ({
      %run_scoped3A = tpu.sem_alloc : memref<!tpu.dma_semaphore, #tpu.memory_space<semaphore_mem>>
      tpu.enqueue_dma source(%arg10 : memref<8x128xf32, #tpu.memory_space<hbm>>) target(%arg17 : memref<8x128xf32, #tpu.memory_space<vmem>>) target_semaphore(%run_scoped3A : memref<!tpu.dma_semaphore, #tpu.memory_space<semaphore_mem>>)
      tpu.wait_dma2 semaphore(%run_scoped3A : memref<!tpu.dma_semaphore, #tpu.memory_space<semaphore_mem>>) src(%arg10 : memref<8x128xf32, #tpu.memory_space<hbm>>) dst(%arg17 : memref<8x128xf32, #tpu.memory_space<vmem>>)
      tpu.yield
    }) : () -> ()
    "tpu.region"() ({
      %run_scoped3A = tpu.sem_alloc : memref<!tpu.dma_semaphore, #tpu.memory_space<semaphore_mem>>
      tpu.enqueue_dma source(%arg11 : memref<3x128xf32, #tpu.memory_space<hbm>>) target(%arg18 : memref<3x128xf32, #tpu.memory_space<vmem>>) target_semaphore(%run_scoped3A : memref<!tpu.dma_semaphore, #tpu.memory_space<semaphore_mem>>)
      tpu.wait_dma2 semaphore(%run_scoped3A : memref<!tpu.dma_semaphore, #tpu.memory_space<semaphore_mem>>) src(%arg11 : memref<3x128xf32, #tpu.memory_space<hbm>>) dst(%arg18 : memref<3x128xf32, #tpu.memory_space<vmem>>)
      tpu.yield
    }) : () -> ()
    %iota3A = tpu.iota {dimensions = array<i32: 0>} : vector<16xi32>
    %scan3A = arith.constant 0 : i32
    %scan3A_1 = arith.constant 0 : i32
    %scan3A_2 = arith.constant 2 : i32
    %scan3A_3 = arith.addi %scan3A_1, %scan3A_2 : i32
    %scan3A_4 = arith.constant 1 : i32
    %scan3A_5 = scf.for %scan3A_7 = %scan3A_1 to %scan3A_3 step %scan3A_4 iter_args(%scan3A_8 = %scan3A) -> (i32)  : i32 {
      %mul3A_9 = arith.constant 2 : i32
      %mul3A_10 = arith.muli %add3A, %mul3A_9 : i32
      %add3A_11 = arith.addi %mul3A_10, %scan3A_7 : i32
      %get3A = arith.constant 0 : i32
      %get3A_12 = arith.index_cast %get3A : i32 to index
      %get3A_13 = arith.constant 0 : index
      %get3A_14 = tpu.vector_load %arg18[%get3A_12, %get3A_13] {strides = array<i32>} : memref<3x128xf32, #tpu.memory_space<vmem>>, vector<16xf32>,
      %swap3A = arith.constant 0 : i32
      %swap3A_15 = arith.index_cast %swap3A : i32 to index
      %swap3A_16 = arith.constant 0 : index
      %swap3A_17 = tpu.vector_load %arg27[%swap3A_15, %swap3A_16] {strides = array<i32>} : memref<129x128xf32, #tpu.memory_space<vmem>>, vector<16xf32>,
      tpu.vector_store %arg27[%swap3A_15, %swap3A_16], %get3A_14 {strides = array<i32>} : memref<129x128xf32, #tpu.memory_space<vmem>>, vector<16xf32>,
      %get3A_18 = arith.constant 0 : i32
      %get3A_19 = arith.index_cast %get3A_18 : i32 to index
      %get3A_20 = arith.constant 16 : index
      %get3A_21 = tpu.vector_load %arg18[%get3A_19, %get3A_20] {strides = array<i32>} : memref<3x128xf32, #tpu.memory_space<vmem>>, vector<16xf32>,
      %swap3A_22 = arith.constant 0 : i32
      %swap3A_23 = arith.index_cast %swap3A_22 : i32 to index
      %swap3A_24 = arith.constant 16 : index
      %swap3A_25 = tpu.vector_load %arg27[%swap3A_23, %swap3A_24] {strides = array<i32>} : memref<129x128xf32, #tpu.memory_space<vmem>>, vector<16xf32>,
      tpu.vector_store %arg27[%swap3A_23, %swap3A_24], %get3A_21 {strides = array<i32>} : memref<129x128xf32, #tpu.memory_space<vmem>>, vector<16xf32>,
      %get3A_26 = arith.constant 0 : i32
      %get3A_27 = arith.index_cast %get3A_26 : i32 to index
      %get3A_28 = arith.constant 32 : index
      %get3A_29 = tpu.vector_load %arg18[%get3A_27, %get3A_28] {strides = array<i32>} : memref<3x128xf32, #tpu.memory_space<vmem>>, vector<16xf32>,
      %swap3A_30 = arith.constant 0 : i32
      %swap3A_31 = arith.index_cast %swap3A_30 : i32 to index
      %swap3A_32 = arith.constant 32 : index
      %swap3A_33 = tpu.vector_load %arg27[%swap3A_31, %swap3A_32] {strides = array<i32>} : memref<129x128xf32, #tpu.memory_space<vmem>>, vector<16xf32>,
      tpu.vector_store %arg27[%swap3A_31, %swap3A_32], %get3A_29 {strides = array<i32>} : memref<129x128xf32, #tpu.memory_space<vmem>>, vector<16xf32>,
      %get3A_34 = arith.constant 0 : i32
      %get3A_35 = arith.index_cast %get3A_34 : i32 to index
      %get3A_36 = arith.constant 48 : index
      %get3A_37 = tpu.vector_load %arg18[%get3A_35, %get3A_36] {strides = array<i32>} : memref<3x128xf32, #tpu.memory_space<vmem>>, vector<16xf32>,
      %swap3A_38 = arith.constant 0 : i32
      %swap3A_39 = arith.index_cast %swap3A_38 : i32 to index
      %swap3A_40 = arith.constant 48 : index
      %swap3A_41 = tpu.vector_load %arg27[%swap3A_39, %swap3A_40] {strides = array<i32>} : memref<129x128xf32, #tpu.memory_space<vmem>>, vector<16xf32>,
      tpu.vector_store %arg27[%swap3A_39, %swap3A_40], %get3A_37 {strides = array<i32>} : memref<129x128xf32, #tpu.memory_space<vmem>>, vector<16xf32>,
      %get3A_42 = arith.constant 0 : i32
      %get3A_43 = arith.index_cast %get3A_42 : i32 to index
      %get3A_44 = arith.constant 64 : index
      %get3A_45 = tpu.vector_load %arg18[%get3A_43, %get3A_44] {strides = array<i32>} : memref<3x128xf32, #tpu.memory_space<vmem>>, vector<16xf32>,
      %swap3A_46 = arith.constant 0 : i32
      %swap3A_47 = arith.index_cast %swap3A_46 : i32 to index
      %swap3A_48 = arith.constant 64 : index
      %swap3A_49 = tpu.vector_load %arg27[%swap3A_47, %swap3A_48] {strides = array<i32>} : memref<129x128xf32, #tpu.memory_space<vmem>>, vector<16xf32>,
      tpu.vector_store %arg27[%swap3A_47, %swap3A_48], %get3A_45 {strides = array<i32>} : memref<129x128xf32, #tpu.memory_space<vmem>>, vector<16xf32>,
      %get3A_50 = arith.constant 0 : i32
      %get3A_51 = arith.index_cast %get3A_50 : i32 to index
      %get3A_52 = arith.constant 80 : index
      %get3A_53 = tpu.vector_load %arg18[%get3A_51, %get3A_52] {strides = array<i32>} : memref<3x128xf32, #tpu.memory_space<vmem>>, vector<16xf32>,
      %swap3A_54 = arith.constant 0 : i32
      %swap3A_55 = arith.index_cast %swap3A_54 : i32 to index
      %swap3A_56 = arith.constant 80 : index
      %swap3A_57 = tpu.vector_load %arg27[%swap3A_55, %swap3A_56] {strides = array<i32>} : memref<129x128xf32, #tpu.memory_space<vmem>>, vector<16xf32>,
      tpu.vector_store %arg27[%swap3A_55, %swap3A_56], %get3A_53 {strides = array<i32>} : memref<129x128xf32, #tpu.memory_space<vmem>>, vector<16xf32>,
      %get3A_58 = arith.constant 0 : i32
      %get3A_59 = arith.index_cast %get3A_58 : i32 to index
      %get3A_60 = arith.constant 96 : index
      %get3A_61 = tpu.vector_load %arg18[%get3A_59, %get3A_60] {strides = array<i32>} : memref<3x128xf32, #tpu.memory_space<vmem>>, vector<16xf32>,
      %swap3A_62 = arith.constant 0 : i32
      %swap3A_63 = arith.index_cast %swap3A_62 : i32 to index
      %swap3A_64 = arith.constant 96 : index
      %swap3A_65 = tpu.vector_load %arg27[%swap3A_63, %swap3A_64] {strides = array<i32>} : memref<129x128xf32, #tpu.memory_space<vmem>>, vector<16xf32>,
      tpu.vector_store %arg27[%swap3A_63, %swap3A_64], %get3A_61 {strides = array<i32>} : memref<129x128xf32, #tpu.memory_space<vmem>>, vector<16xf32>,
      %get3A_66 = arith.constant 0 : i32
      %get3A_67 = arith.index_cast %get3A_66 : i32 to index
      %get3A_68 = arith.constant 112 : index
      %get3A_69 = tpu.vector_load %arg18[%get3A_67, %get3A_68] {strides = array<i32>} : memref<3x128xf32, #tpu.memory_space<vmem>>, vector<16xf32>,
      %swap3A_70 = arith.constant 0 : i32
      %swap3A_71 = arith.index_cast %swap3A_70 : i32 to index
      %swap3A_72 = arith.constant 112 : index
      %swap3A_73 = tpu.vector_load %arg27[%swap3A_71, %swap3A_72] {strides = array<i32>} : memref<129x128xf32, #tpu.memory_space<vmem>>, vector<16xf32>,
      tpu.vector_store %arg27[%swap3A_71, %swap3A_72], %get3A_69 {strides = array<i32>} : memref<129x128xf32, #tpu.memory_space<vmem>>, vector<16xf32>,
      %scan3A_74 = arith.constant 0 : i32
      %scan3A_75 = arith.constant 0 : i32
      %scan3A_76 = arith.constant 4 : i32
      %scan3A_77 = arith.addi %scan3A_75, %scan3A_76 : i32
      %scan3A_78 = arith.constant 1 : i32
      %scan3A_79 = scf.for %scan3A_345 = %scan3A_75 to %scan3A_77 step %scan3A_78 iter_args(%scan3A_346 = %scan3A_74) -> (i32)  : i32 {
        %mul3A_347 = arith.constant 512 : i32
        %mul3A_348 = arith.muli %add3A_11, %mul3A_347 : i32
        %mul3A_349 = arith.constant 128 : i32
        %mul3A_350 = arith.muli %scan3A_345, %mul3A_349 : i32
        %add3A_351 = arith.addi %mul3A_348, %mul3A_350 : i32
        "tpu.region"() ({
          %run_scoped3A = tpu.sem_alloc : memref<!tpu.dma_semaphore, #tpu.memory_space<semaphore_mem>>
          %dma_start3A = arith.constant 0 : i32
          %dma_start3A_426 = tpu.memref_slice %arg2[%add3A_351, %dma_start3A] : memref<32768x4xf32, #tpu.memory_space<hbm>> -> memref<128x4xf32, #tpu.memory_space<hbm>>
          %dma_start3A_427 = arith.constant 0 : i32
          %dma_start3A_428 = tpu.memref_slice %arg2[%add3A_351, %dma_start3A_427] : memref<32768x4xf32, #tpu.memory_space<hbm>> -> memref<128x4xf32, #tpu.memory_space<hbm>>
          tpu.enqueue_dma source(%dma_start3A_428 : memref<128x4xf32, #tpu.memory_space<hbm>>) target(%arg19 : memref<128x4xf32, #tpu.memory_space<vmem>>) target_semaphore(%run_scoped3A : memref<!tpu.dma_semaphore, #tpu.memory_space<semaphore_mem>>)
          %dma_wait3A = arith.constant 0 : i32
          %dma_wait3A_429 = tpu.memref_slice %arg2[%add3A_351, %dma_wait3A] : memref<32768x4xf32, #tpu.memory_space<hbm>> -> memref<128x4xf32, #tpu.memory_space<hbm>>
          %dma_wait3A_430 = arith.constant 0 : i32
          %dma_wait3A_431 = tpu.memref_slice %arg2[%add3A_351, %dma_wait3A_430] : memref<32768x4xf32, #tpu.memory_space<hbm>> -> memref<128x4xf32, #tpu.memory_space<hbm>>
          tpu.wait_dma2 semaphore(%run_scoped3A : memref<!tpu.dma_semaphore, #tpu.memory_space<semaphore_mem>>) src(%dma_wait3A_431 : memref<128x4xf32, #tpu.memory_space<hbm>>) dst(%arg19 : memref<128x4xf32, #tpu.memory_space<vmem>>)
          tpu.yield
        }) : () -> ()
        %scan3A_352 = arith.constant 0 : i32
        %scan3A_353 = arith.constant 0 : i32
        %scan3A_354 = arith.constant 128 : i32
        %scan3A_355 = arith.addi %scan3A_353, %scan3A_354 : i32
        %scan3A_356 = arith.constant 1 : i32
        %scan3A_357 = scf.for %scan3A_426 = %scan3A_353 to %scan3A_355 step %scan3A_356 iter_args(%scan3A_427 = %scan3A_352) -> (i32)  : i32 {
          %broadcast_in_dim3A = vector.broadcast %scan3A_426 : i32 to vector<16xi32>
          %broadcast_in_dim3A_428 = arith.constant 0 : i32
          %broadcast_in_dim3A_429 = vector.broadcast %broadcast_in_dim3A_428 : i32 to vector<16xi32>
          %gather3A = tpu.vector_load_idx %arg19[%broadcast_in_dim3A, %broadcast_in_dim3A_429] : memref<128x4xf32, #tpu.memory_space<vmem>>[vector<16xi32>, vector<16xi32>], vector<16xf32>,
          %broadcast_in_dim3A_430 = vector.broadcast %scan3A_426 : i32 to vector<16xi32>
          %broadcast_in_dim3A_431 = arith.constant 1 : i32
          %broadcast_in_dim3A_432 = vector.broadcast %broadcast_in_dim3A_431 : i32 to vector<16xi32>
          %gather3A_433 = tpu.vector_load_idx %arg19[%broadcast_in_dim3A_430, %broadcast_in_dim3A_432] : memref<128x4xf32, #tpu.memory_space<vmem>>[vector<16xi32>, vector<16xi32>], vector<16xf32>,
          %broadcast_in_dim3A_434 = vector.broadcast %scan3A_426 : i32 to vector<16xi32>
          %broadcast_in_dim3A_435 = arith.constant 2 : i32
          %broadcast_in_dim3A_436 = vector.broadcast %broadcast_in_dim3A_435 : i32 to vector<16xi32>
          %gather3A_437 = tpu.vector_load_idx %arg19[%broadcast_in_dim3A_434, %broadcast_in_dim3A_436] : memref<128x4xf32, #tpu.memory_space<vmem>>[vector<16xi32>, vector<16xi32>], vector<16xf32>,
          %broadcast_in_dim3A_438 = vector.broadcast %scan3A_426 : i32 to vector<16xi32>
          %broadcast_in_dim3A_439 = arith.constant 3 : i32
          %broadcast_in_dim3A_440 = vector.broadcast %broadcast_in_dim3A_439 : i32 to vector<16xi32>
          %gather3A_441 = tpu.vector_load_idx %arg19[%broadcast_in_dim3A_438, %broadcast_in_dim3A_440] : memref<128x4xf32, #tpu.memory_space<vmem>>[vector<16xi32>, vector<16xi32>], vector<16xf32>,
          %get3A_442 = arith.constant 0 : index
          %get3A_443 = tpu.vector_load %arg16[%get3A_442] {strides = array<i32>} : memref<128xf32, #tpu.memory_space<vmem>>, vector<16xf32>,
          %get3A_444 = arith.constant 0 : i32
          %get3A_445 = arith.index_cast %get3A_444 : i32 to index
          %get3A_446 = arith.constant 0 : index
          %get3A_447 = tpu.vector_load %arg14[%get3A_445, %get3A_446] {strides = array<i32>} : memref<4x128xf32, #tpu.memory_space<vmem>>, vector<16xf32>,
          %mul3A_448 = arith.mulf %gather3A, %get3A_447 : vector<16xf32>
          %add3A_449 = arith.addf %get3A_443, %mul3A_448 : vector<16xf32>
          %get3A_450 = arith.constant 1 : i32
          %get3A_451 = arith.index_cast %get3A_450 : i32 to index
          %get3A_452 = arith.constant 0 : index
          %get3A_453 = tpu.vector_load %arg14[%get3A_451, %get3A_452] {strides = array<i32>} : memref<4x128xf32, #tpu.memory_space<vmem>>, vector<16xf32>,
          %mul3A_454 = arith.mulf %gather3A_433, %get3A_453 : vector<16xf32>
          %add3A_455 = arith.addf %add3A_449, %mul3A_454 : vector<16xf32>
          %get3A_456 = arith.constant 2 : i32
          %get3A_457 = arith.index_cast %get3A_456 : i32 to index
          %get3A_458 = arith.constant 0 : index
          %get3A_459 = tpu.vector_load %arg14[%get3A_457, %get3A_458] {strides = array<i32>} : memref<4x128xf32, #tpu.memory_space<vmem>>, vector<16xf32>,
          %mul3A_460 = arith.mulf %gather3A_437, %get3A_459 : vector<16xf32>
          %add3A_461 = arith.addf %add3A_455, %mul3A_460 : vector<16xf32>
          %get3A_462 = arith.constant 3 : i32
          %get3A_463 = arith.index_cast %get3A_462 : i32 to index
          %get3A_464 = arith.constant 0 : index
          %get3A_465 = tpu.vector_load %arg14[%get3A_463, %get3A_464] {strides = array<i32>} : memref<4x128xf32, #tpu.memory_space<vmem>>, vector<16xf32>,
          %mul3A_466 = arith.mulf %gather3A_441, %get3A_465 : vector<16xf32>
          %add3A_467 = arith.addf %add3A_461, %mul3A_466 : vector<16xf32>
          %add3A_468 = arith.constant 1 : i32
          %add3A_469 = arith.addi %scan3A_426, %add3A_468 : i32
          %swap3A_470 = arith.index_cast %add3A_469 : i32 to index
          %swap3A_471 = arith.constant 0 : index
          %swap3A_472 = tpu.vector_load %arg27[%swap3A_470, %swap3A_471] {strides = array<i32>} : memref<129x128xf32, #tpu.memory_space<vmem>>, vector<16xf32>,
          tpu.vector_store %arg27[%swap3A_470, %swap3A_471], %add3A_467 {strides = array<i32>} : memref<129x128xf32, #tpu.memory_space<vmem>>, vector<16xf32>,
          %get3A_473 = arith.constant 16 : index
          %get3A_474 = tpu.vector_load %arg16[%get3A_473] {strides = array<i32>} : memref<128xf32, #tpu.memory_space<vmem>>, vector<16xf32>,
          %get3A_475 = arith.constant 0 : i32
          %get3A_476 = arith.index_cast %get3A_475 : i32 to index
          %get3A_477 = arith.constant 16 : index
          %get3A_478 = tpu.vector_load %arg14[%get3A_476, %get3A_477] {strides = array<i32>} : memref<4x128xf32, #tpu.memory_space<vmem>>, vector<16xf32>,
          %mul3A_479 = arith.mulf %gather3A, %get3A_478 : vector<16xf32>
          %add3A_480 = arith.addf %get3A_474, %mul3A_479 : vector<16xf32>
          %get3A_481 = arith.constant 1 : i32
          %get3A_482 = arith.index_cast %get3A_481 : i32 to index
          %get3A_483 = arith.constant 16 : index
          %get3A_484 = tpu.vector_load %arg14[%get3A_482, %get3A_483] {strides = array<i32>} : memref<4x128xf32, #tpu.memory_space<vmem>>, vector<16xf32>,
          %mul3A_485 = arith.mulf %gather3A_433, %get3A_484 : vector<16xf32>
          %add3A_486 = arith.addf %add3A_480, %mul3A_485 : vector<16xf32>
          %get3A_487 = arith.constant 2 : i32
          %get3A_488 = arith.index_cast %get3A_487 : i32 to index
          %get3A_489 = arith.constant 16 : index
          %get3A_490 = tpu.vector_load %arg14[%get3A_488, %get3A_489] {strides = array<i32>} : memref<4x128xf32, #tpu.memory_space<vmem>>, vector<16xf32>,
          %mul3A_491 = arith.mulf %gather3A_437, %get3A_490 : vector<16xf32>
          %add3A_492 = arith.addf %add3A_486, %mul3A_491 : vector<16xf32>
          %get3A_493 = arith.constant 3 : i32
          %get3A_494 = arith.index_cast %get3A_493 : i32 to index
          %get3A_495 = arith.constant 16 : index
          %get3A_496 = tpu.vector_load %arg14[%get3A_494, %get3A_495] {strides = array<i32>} : memref<4x128xf32, #tpu.memory_space<vmem>>, vector<16xf32>,
          %mul3A_497 = arith.mulf %gather3A_441, %get3A_496 : vector<16xf32>
          %add3A_498 = arith.addf %add3A_492, %mul3A_497 : vector<16xf32>
          %add3A_499 = arith.constant 1 : i32
          %add3A_500 = arith.addi %scan3A_426, %add3A_499 : i32
          %swap3A_501 = arith.index_cast %add3A_500 : i32 to index
          %swap3A_502 = arith.constant 16 : index
          %swap3A_503 = tpu.vector_load %arg27[%swap3A_501, %swap3A_502] {strides = array<i32>} : memref<129x128xf32, #tpu.memory_space<vmem>>, vector<16xf32>,
          tpu.vector_store %arg27[%swap3A_501, %swap3A_502], %add3A_498 {strides = array<i32>} : memref<129x128xf32, #tpu.memory_space<vmem>>, vector<16xf32>,
          %get3A_504 = arith.constant 32 : index
          %get3A_505 = tpu.vector_load %arg16[%get3A_504] {strides = array<i32>} : memref<128xf32, #tpu.memory_space<vmem>>, vector<16xf32>,
          %get3A_506 = arith.constant 0 : i32
          %get3A_507 = arith.index_cast %get3A_506 : i32 to index
          %get3A_508 = arith.constant 32 : index
          %get3A_509 = tpu.vector_load %arg14[%get3A_507, %get3A_508] {strides = array<i32>} : memref<4x128xf32, #tpu.memory_space<vmem>>, vector<16xf32>,
          %mul3A_510 = arith.mulf %gather3A, %get3A_509 : vector<16xf32>
          %add3A_511 = arith.addf %get3A_505, %mul3A_510 : vector<16xf32>
          %get3A_512 = arith.constant 1 : i32
          %get3A_513 = arith.index_cast %get3A_512 : i32 to index
          %get3A_514 = arith.constant 32 : index
          %get3A_515 = tpu.vector_load %arg14[%get3A_513, %get3A_514] {strides = array<i32>} : memref<4x128xf32, #tpu.memory_space<vmem>>, vector<16xf32>,
          %mul3A_516 = arith.mulf %gather3A_433, %get3A_515 : vector<16xf32>
          %add3A_517 = arith.addf %add3A_511, %mul3A_516 : vector<16xf32>
          %get3A_518 = arith.constant 2 : i32
          %get3A_519 = arith.index_cast %get3A_518 : i32 to index
          %get3A_520 = arith.constant 32 : index
          %get3A_521 = tpu.vector_load %arg14[%get3A_519, %get3A_520] {strides = array<i32>} : memref<4x128xf32, #tpu.memory_space<vmem>>, vector<16xf32>,
          %mul3A_522 = arith.mulf %gather3A_437, %get3A_521 : vector<16xf32>
          %add3A_523 = arith.addf %add3A_517, %mul3A_522 : vector<16xf32>
          %get3A_524 = arith.constant 3 : i32
          %get3A_525 = arith.index_cast %get3A_524 : i32 to index
          %get3A_526 = arith.constant 32 : index
          %get3A_527 = tpu.vector_load %arg14[%get3A_525, %get3A_526] {strides = array<i32>} : memref<4x128xf32, #tpu.memory_space<vmem>>, vector<16xf32>,
          %mul3A_528 = arith.mulf %gather3A_441, %get3A_527 : vector<16xf32>
          %add3A_529 = arith.addf %add3A_523, %mul3A_528 : vector<16xf32>
          %add3A_530 = arith.constant 1 : i32
          %add3A_531 = arith.addi %scan3A_426, %add3A_530 : i32
          %swap3A_532 = arith.index_cast %add3A_531 : i32 to index
          %swap3A_533 = arith.constant 32 : index
          %swap3A_534 = tpu.vector_load %arg27[%swap3A_532, %swap3A_533] {strides = array<i32>} : memref<129x128xf32, #tpu.memory_space<vmem>>, vector<16xf32>,
          tpu.vector_store %arg27[%swap3A_532, %swap3A_533], %add3A_529 {strides = array<i32>} : memref<129x128xf32, #tpu.memory_space<vmem>>, vector<16xf32>,
          %get3A_535 = arith.constant 48 : index
          %get3A_536 = tpu.vector_load %arg16[%get3A_535] {strides = array<i32>} : memref<128xf32, #tpu.memory_space<vmem>>, vector<16xf32>,
          %get3A_537 = arith.constant 0 : i32
          %get3A_538 = arith.index_cast %get3A_537 : i32 to index
          %get3A_539 = arith.constant 48 : index
          %get3A_540 = tpu.vector_load %arg14[%get3A_538, %get3A_539] {strides = array<i32>} : memref<4x128xf32, #tpu.memory_space<vmem>>, vector<16xf32>,
          %mul3A_541 = arith.mulf %gather3A, %get3A_540 : vector<16xf32>
          %add3A_542 = arith.addf %get3A_536, %mul3A_541 : vector<16xf32>
          %get3A_543 = arith.constant 1 : i32
          %get3A_544 = arith.index_cast %get3A_543 : i32 to index
          %get3A_545 = arith.constant 48 : index
          %get3A_546 = tpu.vector_load %arg14[%get3A_544, %get3A_545] {strides = array<i32>} : memref<4x128xf32, #tpu.memory_space<vmem>>, vector<16xf32>,
          %mul3A_547 = arith.mulf %gather3A_433, %get3A_546 : vector<16xf32>
          %add3A_548 = arith.addf %add3A_542, %mul3A_547 : vector<16xf32>
          %get3A_549 = arith.constant 2 : i32
          %get3A_550 = arith.index_cast %get3A_549 : i32 to index
          %get3A_551 = arith.constant 48 : index
          %get3A_552 = tpu.vector_load %arg14[%get3A_550, %get3A_551] {strides = array<i32>} : memref<4x128xf32, #tpu.memory_space<vmem>>, vector<16xf32>,
          %mul3A_553 = arith.mulf %gather3A_437, %get3A_552 : vector<16xf32>
          %add3A_554 = arith.addf %add3A_548, %mul3A_553 : vector<16xf32>
          %get3A_555 = arith.constant 3 : i32
          %get3A_556 = arith.index_cast %get3A_555 : i32 to index
          %get3A_557 = arith.constant 48 : index
          %get3A_558 = tpu.vector_load %arg14[%get3A_556, %get3A_557] {strides = array<i32>} : memref<4x128xf32, #tpu.memory_space<vmem>>, vector<16xf32>,
          %mul3A_559 = arith.mulf %gather3A_441, %get3A_558 : vector<16xf32>
          %add3A_560 = arith.addf %add3A_554, %mul3A_559 : vector<16xf32>
          %add3A_561 = arith.constant 1 : i32
          %add3A_562 = arith.addi %scan3A_426, %add3A_561 : i32
          %swap3A_563 = arith.index_cast %add3A_562 : i32 to index
          %swap3A_564 = arith.constant 48 : index
          %swap3A_565 = tpu.vector_load %arg27[%swap3A_563, %swap3A_564] {strides = array<i32>} : memref<129x128xf32, #tpu.memory_space<vmem>>, vector<16xf32>,
          tpu.vector_store %arg27[%swap3A_563, %swap3A_564], %add3A_560 {strides = array<i32>} : memref<129x128xf32, #tpu.memory_space<vmem>>, vector<16xf32>,
          %get3A_566 = arith.constant 64 : index
          %get3A_567 = tpu.vector_load %arg16[%get3A_566] {strides = array<i32>} : memref<128xf32, #tpu.memory_space<vmem>>, vector<16xf32>,
          %get3A_568 = arith.constant 0 : i32
          %get3A_569 = arith.index_cast %get3A_568 : i32 to index
          %get3A_570 = arith.constant 64 : index
          %get3A_571 = tpu.vector_load %arg14[%get3A_569, %get3A_570] {strides = array<i32>} : memref<4x128xf32, #tpu.memory_space<vmem>>, vector<16xf32>,
          %mul3A_572 = arith.mulf %gather3A, %get3A_571 : vector<16xf32>
          %add3A_573 = arith.addf %get3A_567, %mul3A_572 : vector<16xf32>
          %get3A_574 = arith.constant 1 : i32
          %get3A_575 = arith.index_cast %get3A_574 : i32 to index
          %get3A_576 = arith.constant 64 : index
          %get3A_577 = tpu.vector_load %arg14[%get3A_575, %get3A_576] {strides = array<i32>} : memref<4x128xf32, #tpu.memory_space<vmem>>, vector<16xf32>,
          %mul3A_578 = arith.mulf %gather3A_433, %get3A_577 : vector<16xf32>
          %add3A_579 = arith.addf %add3A_573, %mul3A_578 : vector<16xf32>
          %get3A_580 = arith.constant 2 : i32
          %get3A_581 = arith.index_cast %get3A_580 : i32 to index
          %get3A_582 = arith.constant 64 : index
          %get3A_583 = tpu.vector_load %arg14[%get3A_581, %get3A_582] {strides = array<i32>} : memref<4x128xf32, #tpu.memory_space<vmem>>, vector<16xf32>,
          %mul3A_584 = arith.mulf %gather3A_437, %get3A_583 : vector<16xf32>
          %add3A_585 = arith.addf %add3A_579, %mul3A_584 : vector<16xf32>
          %get3A_586 = arith.constant 3 : i32
          %get3A_587 = arith.index_cast %get3A_586 : i32 to index
          %get3A_588 = arith.constant 64 : index
          %get3A_589 = tpu.vector_load %arg14[%get3A_587, %get3A_588] {strides = array<i32>} : memref<4x128xf32, #tpu.memory_space<vmem>>, vector<16xf32>,
          %mul3A_590 = arith.mulf %gather3A_441, %get3A_589 : vector<16xf32>
          %add3A_591 = arith.addf %add3A_585, %mul3A_590 : vector<16xf32>
          %add3A_592 = arith.constant 1 : i32
          %add3A_593 = arith.addi %scan3A_426, %add3A_592 : i32
          %swap3A_594 = arith.index_cast %add3A_593 : i32 to index
          %swap3A_595 = arith.constant 64 : index
          %swap3A_596 = tpu.vector_load %arg27[%swap3A_594, %swap3A_595] {strides = array<i32>} : memref<129x128xf32, #tpu.memory_space<vmem>>, vector<16xf32>,
          tpu.vector_store %arg27[%swap3A_594, %swap3A_595], %add3A_591 {strides = array<i32>} : memref<129x128xf32, #tpu.memory_space<vmem>>, vector<16xf32>,
          %get3A_597 = arith.constant 80 : index
          %get3A_598 = tpu.vector_load %arg16[%get3A_597] {strides = array<i32>} : memref<128xf32, #tpu.memory_space<vmem>>, vector<16xf32>,
          %get3A_599 = arith.constant 0 : i32
          %get3A_600 = arith.index_cast %get3A_599 : i32 to index
          %get3A_601 = arith.constant 80 : index
          %get3A_602 = tpu.vector_load %arg14[%get3A_600, %get3A_601] {strides = array<i32>} : memref<4x128xf32, #tpu.memory_space<vmem>>, vector<16xf32>,
          %mul3A_603 = arith.mulf %gather3A, %get3A_602 : vector<16xf32>
          %add3A_604 = arith.addf %get3A_598, %mul3A_603 : vector<16xf32>
          %get3A_605 = arith.constant 1 : i32
          %get3A_606 = arith.index_cast %get3A_605 : i32 to index
          %get3A_607 = arith.constant 80 : index
          %get3A_608 = tpu.vector_load %arg14[%get3A_606, %get3A_607] {strides = array<i32>} : memref<4x128xf32, #tpu.memory_space<vmem>>, vector<16xf32>,
          %mul3A_609 = arith.mulf %gather3A_433, %get3A_608 : vector<16xf32>
          %add3A_610 = arith.addf %add3A_604, %mul3A_609 : vector<16xf32>
          %get3A_611 = arith.constant 2 : i32
          %get3A_612 = arith.index_cast %get3A_611 : i32 to index
          %get3A_613 = arith.constant 80 : index
          %get3A_614 = tpu.vector_load %arg14[%get3A_612, %get3A_613] {strides = array<i32>} : memref<4x128xf32, #tpu.memory_space<vmem>>, vector<16xf32>,
          %mul3A_615 = arith.mulf %gather3A_437, %get3A_614 : vector<16xf32>
          %add3A_616 = arith.addf %add3A_610, %mul3A_615 : vector<16xf32>
          %get3A_617 = arith.constant 3 : i32
          %get3A_618 = arith.index_cast %get3A_617 : i32 to index
          %get3A_619 = arith.constant 80 : index
          %get3A_620 = tpu.vector_load %arg14[%get3A_618, %get3A_619] {strides = array<i32>} : memref<4x128xf32, #tpu.memory_space<vmem>>, vector<16xf32>,
          %mul3A_621 = arith.mulf %gather3A_441, %get3A_620 : vector<16xf32>
          %add3A_622 = arith.addf %add3A_616, %mul3A_621 : vector<16xf32>
          %add3A_623 = arith.constant 1 : i32
          %add3A_624 = arith.addi %scan3A_426, %add3A_623 : i32
          %swap3A_625 = arith.index_cast %add3A_624 : i32 to index
          %swap3A_626 = arith.constant 80 : index
          %swap3A_627 = tpu.vector_load %arg27[%swap3A_625, %swap3A_626] {strides = array<i32>} : memref<129x128xf32, #tpu.memory_space<vmem>>, vector<16xf32>,
          tpu.vector_store %arg27[%swap3A_625, %swap3A_626], %add3A_622 {strides = array<i32>} : memref<129x128xf32, #tpu.memory_space<vmem>>, vector<16xf32>,
          %get3A_628 = arith.constant 96 : index
          %get3A_629 = tpu.vector_load %arg16[%get3A_628] {strides = array<i32>} : memref<128xf32, #tpu.memory_space<vmem>>, vector<16xf32>,
          %get3A_630 = arith.constant 0 : i32
          %get3A_631 = arith.index_cast %get3A_630 : i32 to index
          %get3A_632 = arith.constant 96 : index
          %get3A_633 = tpu.vector_load %arg14[%get3A_631, %get3A_632] {strides = array<i32>} : memref<4x128xf32, #tpu.memory_space<vmem>>, vector<16xf32>,
          %mul3A_634 = arith.mulf %gather3A, %get3A_633 : vector<16xf32>
          %add3A_635 = arith.addf %get3A_629, %mul3A_634 : vector<16xf32>
          %get3A_636 = arith.constant 1 : i32
          %get3A_637 = arith.index_cast %get3A_636 : i32 to index
          %get3A_638 = arith.constant 96 : index
          %get3A_639 = tpu.vector_load %arg14[%get3A_637, %get3A_638] {strides = array<i32>} : memref<4x128xf32, #tpu.memory_space<vmem>>, vector<16xf32>,
          %mul3A_640 = arith.mulf %gather3A_433, %get3A_639 : vector<16xf32>
          %add3A_641 = arith.addf %add3A_635, %mul3A_640 : vector<16xf32>
          %get3A_642 = arith.constant 2 : i32
          %get3A_643 = arith.index_cast %get3A_642 : i32 to index
          %get3A_644 = arith.constant 96 : index
          %get3A_645 = tpu.vector_load %arg14[%get3A_643, %get3A_644] {strides = array<i32>} : memref<4x128xf32, #tpu.memory_space<vmem>>, vector<16xf32>,
          %mul3A_646 = arith.mulf %gather3A_437, %get3A_645 : vector<16xf32>
          %add3A_647 = arith.addf %add3A_641, %mul3A_646 : vector<16xf32>
          %get3A_648 = arith.constant 3 : i32
          %get3A_649 = arith.index_cast %get3A_648 : i32 to index
          %get3A_650 = arith.constant 96 : index
          %get3A_651 = tpu.vector_load %arg14[%get3A_649, %get3A_650] {strides = array<i32>} : memref<4x128xf32, #tpu.memory_space<vmem>>, vector<16xf32>,
          %mul3A_652 = arith.mulf %gather3A_441, %get3A_651 : vector<16xf32>
          %add3A_653 = arith.addf %add3A_647, %mul3A_652 : vector<16xf32>
          %add3A_654 = arith.constant 1 : i32
          %add3A_655 = arith.addi %scan3A_426, %add3A_654 : i32
          %swap3A_656 = arith.index_cast %add3A_655 : i32 to index
          %swap3A_657 = arith.constant 96 : index
          %swap3A_658 = tpu.vector_load %arg27[%swap3A_656, %swap3A_657] {strides = array<i32>} : memref<129x128xf32, #tpu.memory_space<vmem>>, vector<16xf32>,
          tpu.vector_store %arg27[%swap3A_656, %swap3A_657], %add3A_653 {strides = array<i32>} : memref<129x128xf32, #tpu.memory_space<vmem>>, vector<16xf32>,
          %get3A_659 = arith.constant 112 : index
          %get3A_660 = tpu.vector_load %arg16[%get3A_659] {strides = array<i32>} : memref<128xf32, #tpu.memory_space<vmem>>, vector<16xf32>,
          %get3A_661 = arith.constant 0 : i32
          %get3A_662 = arith.index_cast %get3A_661 : i32 to index
          %get3A_663 = arith.constant 112 : index
          %get3A_664 = tpu.vector_load %arg14[%get3A_662, %get3A_663] {strides = array<i32>} : memref<4x128xf32, #tpu.memory_space<vmem>>, vector<16xf32>,
          %mul3A_665 = arith.mulf %gather3A, %get3A_664 : vector<16xf32>
          %add3A_666 = arith.addf %get3A_660, %mul3A_665 : vector<16xf32>
          %get3A_667 = arith.constant 1 : i32
          %get3A_668 = arith.index_cast %get3A_667 : i32 to index
          %get3A_669 = arith.constant 112 : index
          %get3A_670 = tpu.vector_load %arg14[%get3A_668, %get3A_669] {strides = array<i32>} : memref<4x128xf32, #tpu.memory_space<vmem>>, vector<16xf32>,
          %mul3A_671 = arith.mulf %gather3A_433, %get3A_670 : vector<16xf32>
          %add3A_672 = arith.addf %add3A_666, %mul3A_671 : vector<16xf32>
          %get3A_673 = arith.constant 2 : i32
          %get3A_674 = arith.index_cast %get3A_673 : i32 to index
          %get3A_675 = arith.constant 112 : index
          %get3A_676 = tpu.vector_load %arg14[%get3A_674, %get3A_675] {strides = array<i32>} : memref<4x128xf32, #tpu.memory_space<vmem>>, vector<16xf32>,
          %mul3A_677 = arith.mulf %gather3A_437, %get3A_676 : vector<16xf32>
          %add3A_678 = arith.addf %add3A_672, %mul3A_677 : vector<16xf32>
          %get3A_679 = arith.constant 3 : i32
          %get3A_680 = arith.index_cast %get3A_679 : i32 to index
          %get3A_681 = arith.constant 112 : index
          %get3A_682 = tpu.vector_load %arg14[%get3A_680, %get3A_681] {strides = array<i32>} : memref<4x128xf32, #tpu.memory_space<vmem>>, vector<16xf32>,
          %mul3A_683 = arith.mulf %gather3A_441, %get3A_682 : vector<16xf32>
          %add3A_684 = arith.addf %add3A_678, %mul3A_683 : vector<16xf32>
          %add3A_685 = arith.constant 1 : i32
          %add3A_686 = arith.addi %scan3A_426, %add3A_685 : i32
          %swap3A_687 = arith.index_cast %add3A_686 : i32 to index
          %swap3A_688 = arith.constant 112 : index
          %swap3A_689 = tpu.vector_load %arg27[%swap3A_687, %swap3A_688] {strides = array<i32>} : memref<129x128xf32, #tpu.memory_space<vmem>>, vector<16xf32>,
          tpu.vector_store %arg27[%swap3A_687, %swap3A_688], %add3A_684 {strides = array<i32>} : memref<129x128xf32, #tpu.memory_space<vmem>>, vector<16xf32>,
          %scan3A_690 = arith.constant 0 : i32
          scf.yield %scan3A_690 : i32
        }
        %scan3A_358 = arith.constant 128 : i32
        %mul3A_359 = arith.constant 128 : i32
        %mul3A_360 = arith.muli %scan3A_345, %mul3A_359 : i32
        "tpu.region"() ({
          %run_scoped3A = tpu.sem_alloc : memref<!tpu.dma_semaphore, #tpu.memory_space<semaphore_mem>>
          %dma_start3A = arith.constant 0 : i32
          %dma_start3A_426 = arith.constant 0 : i32
          %dma_start3A_427 = tpu.memref_slice %arg27[%dma_start3A, %dma_start3A_426] : memref<129x128xf32, #tpu.memory_space<vmem>> -> memref<128x128xf32, #tpu.memory_space<vmem>>
          %dma_start3A_428 = arith.constant 0 : i32
          %dma_start3A_429 = tpu.memref_slice %arg13[%add3A_11, %mul3A_360, %dma_start3A_428] : memref<64x2563x128xf32, #tpu.memory_space<hbm>> -> memref<1x128x128xf32, #tpu.memory_space<hbm>>
          %dma_start3A_430 = tpu.memref_squeeze %dma_start3A_429 : memref<1x128x128xf32, #tpu.memory_space<hbm>> -> memref<128x128xf32, #tpu.memory_space<hbm>>
          %dma_start3A_431 = arith.constant 0 : i32
          %dma_start3A_432 = tpu.memref_slice %arg13[%add3A_11, %mul3A_360, %dma_start3A_431] : memref<64x2563x128xf32, #tpu.memory_space<hbm>> -> memref<1x128x128xf32, #tpu.memory_space<hbm>>
          %dma_start3A_433 = tpu.memref_squeeze %dma_start3A_432 : memref<1x128x128xf32, #tpu.memory_space<hbm>> -> memref<128x128xf32, #tpu.memory_space<hbm>>
          %dma_start3A_434 = arith.constant 0 : i32
          %dma_start3A_435 = arith.constant 0 : i32
          %dma_start3A_436 = tpu.memref_slice %arg27[%dma_start3A_434, %dma_start3A_435] : memref<129x128xf32, #tpu.memory_space<vmem>> -> memref<128x128xf32, #tpu.memory_space<vmem>>
          tpu.enqueue_dma source(%dma_start3A_436 : memref<128x128xf32, #tpu.memory_space<vmem>>) target(%dma_start3A_433 : memref<128x128xf32, #tpu.memory_space<hbm>>) target_semaphore(%run_scoped3A : memref<!tpu.dma_semaphore, #tpu.memory_space<semaphore_mem>>)
          %dma_wait3A = arith.constant 0 : i32
          %dma_wait3A_437 = arith.constant 0 : i32
          %dma_wait3A_438 = tpu.memref_slice %arg27[%dma_wait3A, %dma_wait3A_437] : memref<129x128xf32, #tpu.memory_space<vmem>> -> memref<128x128xf32, #tpu.memory_space<vmem>>
          %dma_wait3A_439 = arith.constant 0 : i32
          %dma_wait3A_440 = tpu.memref_slice %arg13[%add3A_11, %mul3A_360, %dma_wait3A_439] : memref<64x2563x128xf32, #tpu.memory_space<hbm>> -> memref<1x128x128xf32, #tpu.memory_space<hbm>>
          %dma_wait3A_441 = tpu.memref_squeeze %dma_wait3A_440 : memref<1x128x128xf32, #tpu.memory_space<hbm>> -> memref<128x128xf32, #tpu.memory_space<hbm>>
          %dma_wait3A_442 = arith.constant 0 : i32
          %dma_wait3A_443 = tpu.memref_slice %arg13[%add3A_11, %mul3A_360, %dma_wait3A_442] : memref<64x2563x128xf32, #tpu.memory_space<hbm>> -> memref<1x128x128xf32, #tpu.memory_space<hbm>>
          %dma_wait3A_444 = tpu.memref_squeeze %dma_wait3A_443 : memref<1x128x128xf32, #tpu.memory_space<hbm>> -> memref<128x128xf32, #tpu.memory_space<hbm>>
          %dma_wait3A_445 = arith.constant 0 : i32
          %dma_wait3A_446 = arith.constant 0 : i32
          %dma_wait3A_447 = tpu.memref_slice %arg27[%dma_wait3A_445, %dma_wait3A_446] : memref<129x128xf32, #tpu.memory_space<vmem>> -> memref<128x128xf32, #tpu.memory_space<vmem>>
          tpu.wait_dma2 semaphore(%run_scoped3A : memref<!tpu.dma_semaphore, #tpu.memory_space<semaphore_mem>>) src(%dma_wait3A_447 : memref<128x128xf32, #tpu.memory_space<vmem>>) dst(%dma_wait3A_444 : memref<128x128xf32, #tpu.memory_space<hbm>>)
          tpu.yield
        }) : () -> ()
        %get3A_361 = arith.constant 128 : i32
        %get3A_362 = arith.index_cast %get3A_361 : i32 to index
        %get3A_363 = arith.constant 0 : index
        %get3A_364 = tpu.vector_load %arg27[%get3A_362, %get3A_363] {strides = array<i32>} : memref<129x128xf32, #tpu.memory_space<vmem>>, vector<16xf32>,
        %swap3A_365 = arith.constant 0 : i32
        %swap3A_366 = arith.index_cast %swap3A_365 : i32 to index
        %swap3A_367 = arith.constant 0 : index
        %swap3A_368 = tpu.vector_load %arg27[%swap3A_366, %swap3A_367] {strides = array<i32>} : memref<129x128xf32, #tpu.memory_space<vmem>>, vector<16xf32>,
        tpu.vector_store %arg27[%swap3A_366, %swap3A_367], %get3A_364 {strides = array<i32>} : memref<129x128xf32, #tpu.memory_space<vmem>>, vector<16xf32>,
        %get3A_369 = arith.constant 128 : i32
        %get3A_370 = arith.index_cast %get3A_369 : i32 to index
        %get3A_371 = arith.constant 16 : index
        %get3A_372 = tpu.vector_load %arg27[%get3A_370, %get3A_371] {strides = array<i32>} : memref<129x128xf32, #tpu.memory_space<vmem>>, vector<16xf32>,
        %swap3A_373 = arith.constant 0 : i32
        %swap3A_374 = arith.index_cast %swap3A_373 : i32 to index
        %swap3A_375 = arith.constant 16 : index
        %swap3A_376 = tpu.vector_load %arg27[%swap3A_374, %swap3A_375] {strides = array<i32>} : memref<129x128xf32, #tpu.memory_space<vmem>>, vector<16xf32>,
        tpu.vector_store %arg27[%swap3A_374, %swap3A_375], %get3A_372 {strides = array<i32>} : memref<129x128xf32, #tpu.memory_space<vmem>>, vector<16xf32>,
        %get3A_377 = arith.constant 128 : i32
        %get3A_378 = arith.index_cast %get3A_377 : i32 to index
        %get3A_379 = arith.constant 32 : index
        %get3A_380 = tpu.vector_load %arg27[%get3A_378, %get3A_379] {strides = array<i32>} : memref<129x128xf32, #tpu.memory_space<vmem>>, vector<16xf32>,
        %swap3A_381 = arith.constant 0 : i32
        %swap3A_382 = arith.index_cast %swap3A_381 : i32 to index
        %swap3A_383 = arith.constant 32 : index
        %swap3A_384 = tpu.vector_load %arg27[%swap3A_382, %swap3A_383] {strides = array<i32>} : memref<129x128xf32, #tpu.memory_space<vmem>>, vector<16xf32>,
        tpu.vector_store %arg27[%swap3A_382, %swap3A_383], %get3A_380 {strides = array<i32>} : memref<129x128xf32, #tpu.memory_space<vmem>>, vector<16xf32>,
        %get3A_385 = arith.constant 128 : i32
        %get3A_386 = arith.index_cast %get3A_385 : i32 to index
        %get3A_387 = arith.constant 48 : index
        %get3A_388 = tpu.vector_load %arg27[%get3A_386, %get3A_387] {strides = array<i32>} : memref<129x128xf32, #tpu.memory_space<vmem>>, vector<16xf32>,
        %swap3A_389 = arith.constant 0 : i32
        %swap3A_390 = arith.index_cast %swap3A_389 : i32 to index
        %swap3A_391 = arith.constant 48 : index
        %swap3A_392 = tpu.vector_load %arg27[%swap3A_390, %swap3A_391] {strides = array<i32>} : memref<129x128xf32, #tpu.memory_space<vmem>>, vector<16xf32>,
        tpu.vector_store %arg27[%swap3A_390, %swap3A_391], %get3A_388 {strides = array<i32>} : memref<129x128xf32, #tpu.memory_space<vmem>>, vector<16xf32>,
        %get3A_393 = arith.constant 128 : i32
        %get3A_394 = arith.index_cast %get3A_393 : i32 to index
        %get3A_395 = arith.constant 64 : index
        %get3A_396 = tpu.vector_load %arg27[%get3A_394, %get3A_395] {strides = array<i32>} : memref<129x128xf32, #tpu.memory_space<vmem>>, vector<16xf32>,
        %swap3A_397 = arith.constant 0 : i32
        %swap3A_398 = arith.index_cast %swap3A_397 : i32 to index
        %swap3A_399 = arith.constant 64 : index
        %swap3A_400 = tpu.vector_load %arg27[%swap3A_398, %swap3A_399] {strides = array<i32>} : memref<129x128xf32, #tpu.memory_space<vmem>>, vector<16xf32>,
        tpu.vector_store %arg27[%swap3A_398, %swap3A_399], %get3A_396 {strides = array<i32>} : memref<129x128xf32, #tpu.memory_space<vmem>>, vector<16xf32>,
        %get3A_401 = arith.constant 128 : i32
        %get3A_402 = arith.index_cast %get3A_401 : i32 to index
        %get3A_403 = arith.constant 80 : index
        %get3A_404 = tpu.vector_load %arg27[%get3A_402, %get3A_403] {strides = array<i32>} : memref<129x128xf32, #tpu.memory_space<vmem>>, vector<16xf32>,
        %swap3A_405 = arith.constant 0 : i32
        %swap3A_406 = arith.index_cast %swap3A_405 : i32 to index
        %swap3A_407 = arith.constant 80 : index
        %swap3A_408 = tpu.vector_load %arg27[%swap3A_406, %swap3A_407] {strides = array<i32>} : memref<129x128xf32, #tpu.memory_space<vmem>>, vector<16xf32>,
        tpu.vector_store %arg27[%swap3A_406, %swap3A_407], %get3A_404 {strides = array<i32>} : memref<129x128xf32, #tpu.memory_space<vmem>>, vector<16xf32>,
        %get3A_409 = arith.constant 128 : i32
        %get3A_410 = arith.index_cast %get3A_409 : i32 to index
        %get3A_411 = arith.constant 96 : index
        %get3A_412 = tpu.vector_load %arg27[%get3A_410, %get3A_411] {strides = array<i32>} : memref<129x128xf32, #tpu.memory_space<vmem>>, vector<16xf32>,
        %swap3A_413 = arith.constant 0 : i32
        %swap3A_414 = arith.index_cast %swap3A_413 : i32 to index
        %swap3A_415 = arith.constant 96 : index
        %swap3A_416 = tpu.vector_load %arg27[%swap3A_414, %swap3A_415] {strides = array<i32>} : memref<129x128xf32, #tpu.memory_space<vmem>>, vector<16xf32>,
        tpu.vector_store %arg27[%swap3A_414, %swap3A_415], %get3A_412 {strides = array<i32>} : memref<129x128xf32, #tpu.memory_space<vmem>>, vector<16xf32>,
        %get3A_417 = arith.constant 128 : i32
        %get3A_418 = arith.index_cast %get3A_417 : i32 to index
        %get3A_419 = arith.constant 112 : index
        %get3A_420 = tpu.vector_load %arg27[%get3A_418, %get3A_419] {strides = array<i32>} : memref<129x128xf32, #tpu.memory_space<vmem>>, vector<16xf32>,
        %swap3A_421 = arith.constant 0 : i32
        %swap3A_422 = arith.index_cast %swap3A_421 : i32 to index
        %swap3A_423 = arith.constant 112 : index
        %swap3A_424 = tpu.vector_load %arg27[%swap3A_422, %swap3A_423] {strides = array<i32>} : memref<129x128xf32, #tpu.memory_space<vmem>>, vector<16xf32>,
        tpu.vector_store %arg27[%swap3A_422, %swap3A_423], %get3A_420 {strides = array<i32>} : memref<129x128xf32, #tpu.memory_space<vmem>>, vector<16xf32>,
        %scan3A_425 = arith.constant 0 : i32
        scf.yield %scan3A_425 : i32
      }
      %scan3A_80 = arith.constant 4 : i32
      %get3A_81 = arith.constant 0 : i32
      %get3A_82 = arith.index_cast %get3A_81 : i32 to index
      %get3A_83 = arith.constant 0 : index
      %get3A_84 = tpu.vector_load %arg27[%get3A_82, %get3A_83] {strides = array<i32>} : memref<129x128xf32, #tpu.memory_space<vmem>>, vector<16xf32>,
      %swap3A_85 = arith.constant 0 : i32
      %swap3A_86 = arith.index_cast %swap3A_85 : i32 to index
      %swap3A_87 = arith.constant 0 : index
      %swap3A_88 = tpu.vector_load %arg26[%swap3A_86, %swap3A_87] {strides = array<i32>} : memref<129x128xf32, #tpu.memory_space<vmem>>, vector<16xf32>,
      tpu.vector_store %arg26[%swap3A_86, %swap3A_87], %get3A_84 {strides = array<i32>} : memref<129x128xf32, #tpu.memory_space<vmem>>, vector<16xf32>,
      %get3A_89 = arith.constant 0 : i32
      %get3A_90 = arith.index_cast %get3A_89 : i32 to index
      %get3A_91 = arith.constant 16 : index
      %get3A_92 = tpu.vector_load %arg27[%get3A_90, %get3A_91] {strides = array<i32>} : memref<129x128xf32, #tpu.memory_space<vmem>>, vector<16xf32>,
      %swap3A_93 = arith.constant 0 : i32
      %swap3A_94 = arith.index_cast %swap3A_93 : i32 to index
      %swap3A_95 = arith.constant 16 : index
      %swap3A_96 = tpu.vector_load %arg26[%swap3A_94, %swap3A_95] {strides = array<i32>} : memref<129x128xf32, #tpu.memory_space<vmem>>, vector<16xf32>,
      tpu.vector_store %arg26[%swap3A_94, %swap3A_95], %get3A_92 {strides = array<i32>} : memref<129x128xf32, #tpu.memory_space<vmem>>, vector<16xf32>,
      %get3A_97 = arith.constant 0 : i32
      %get3A_98 = arith.index_cast %get3A_97 : i32 to index
      %get3A_99 = arith.constant 32 : index
      %get3A_100 = tpu.vector_load %arg27[%get3A_98, %get3A_99] {strides = array<i32>} : memref<129x128xf32, #tpu.memory_space<vmem>>, vector<16xf32>,
      %swap3A_101 = arith.constant 0 : i32
      %swap3A_102 = arith.index_cast %swap3A_101 : i32 to index
      %swap3A_103 = arith.constant 32 : index
      %swap3A_104 = tpu.vector_load %arg26[%swap3A_102, %swap3A_103] {strides = array<i32>} : memref<129x128xf32, #tpu.memory_space<vmem>>, vector<16xf32>,
      tpu.vector_store %arg26[%swap3A_102, %swap3A_103], %get3A_100 {strides = array<i32>} : memref<129x128xf32, #tpu.memory_space<vmem>>, vector<16xf32>,
      %get3A_105 = arith.constant 0 : i32
      %get3A_106 = arith.index_cast %get3A_105 : i32 to index
      %get3A_107 = arith.constant 48 : index
      %get3A_108 = tpu.vector_load %arg27[%get3A_106, %get3A_107] {strides = array<i32>} : memref<129x128xf32, #tpu.memory_space<vmem>>, vector<16xf32>,
      %swap3A_109 = arith.constant 0 : i32
      %swap3A_110 = arith.index_cast %swap3A_109 : i32 to index
      %swap3A_111 = arith.constant 48 : index
      %swap3A_112 = tpu.vector_load %arg26[%swap3A_110, %swap3A_111] {strides = array<i32>} : memref<129x128xf32, #tpu.memory_space<vmem>>, vector<16xf32>,
      tpu.vector_store %arg26[%swap3A_110, %swap3A_111], %get3A_108 {strides = array<i32>} : memref<129x128xf32, #tpu.memory_space<vmem>>, vector<16xf32>,
      %get3A_113 = arith.constant 0 : i32
      %get3A_114 = arith.index_cast %get3A_113 : i32 to index
      %get3A_115 = arith.constant 64 : index
      %get3A_116 = tpu.vector_load %arg27[%get3A_114, %get3A_115] {strides = array<i32>} : memref<129x128xf32, #tpu.memory_space<vmem>>, vector<16xf32>,
      %swap3A_117 = arith.constant 0 : i32
      %swap3A_118 = arith.index_cast %swap3A_117 : i32 to index
      %swap3A_119 = arith.constant 64 : index
      %swap3A_120 = tpu.vector_load %arg26[%swap3A_118, %swap3A_119] {strides = array<i32>} : memref<129x128xf32, #tpu.memory_space<vmem>>, vector<16xf32>,
      tpu.vector_store %arg26[%swap3A_118, %swap3A_119], %get3A_116 {strides = array<i32>} : memref<129x128xf32, #tpu.memory_space<vmem>>, vector<16xf32>,
      %get3A_121 = arith.constant 0 : i32
      %get3A_122 = arith.index_cast %get3A_121 : i32 to index
      %get3A_123 = arith.constant 80 : index
      %get3A_124 = tpu.vector_load %arg27[%get3A_122, %get3A_123] {strides = array<i32>} : memref<129x128xf32, #tpu.memory_space<vmem>>, vector<16xf32>,
      %swap3A_125 = arith.constant 0 : i32
      %swap3A_126 = arith.index_cast %swap3A_125 : i32 to index
      %swap3A_127 = arith.constant 80 : index
      %swap3A_128 = tpu.vector_load %arg26[%swap3A_126, %swap3A_127] {strides = array<i32>} : memref<129x128xf32, #tpu.memory_space<vmem>>, vector<16xf32>,
      tpu.vector_store %arg26[%swap3A_126, %swap3A_127], %get3A_124 {strides = array<i32>} : memref<129x128xf32, #tpu.memory_space<vmem>>, vector<16xf32>,
      %get3A_129 = arith.constant 0 : i32
      %get3A_130 = arith.index_cast %get3A_129 : i32 to index
      %get3A_131 = arith.constant 96 : index
      %get3A_132 = tpu.vector_load %arg27[%get3A_130, %get3A_131] {strides = array<i32>} : memref<129x128xf32, #tpu.memory_space<vmem>>, vector<16xf32>,
      %swap3A_133 = arith.constant 0 : i32
      %swap3A_134 = arith.index_cast %swap3A_133 : i32 to index
      %swap3A_135 = arith.constant 96 : index
      %swap3A_136 = tpu.vector_load %arg26[%swap3A_134, %swap3A_135] {strides = array<i32>} : memref<129x128xf32, #tpu.memory_space<vmem>>, vector<16xf32>,
      tpu.vector_store %arg26[%swap3A_134, %swap3A_135], %get3A_132 {strides = array<i32>} : memref<129x128xf32, #tpu.memory_space<vmem>>, vector<16xf32>,
      %get3A_137 = arith.constant 0 : i32
      %get3A_138 = arith.index_cast %get3A_137 : i32 to index
      %get3A_139 = arith.constant 112 : index
      %get3A_140 = tpu.vector_load %arg27[%get3A_138, %get3A_139] {strides = array<i32>} : memref<129x128xf32, #tpu.memory_space<vmem>>, vector<16xf32>,
      %swap3A_141 = arith.constant 0 : i32
      %swap3A_142 = arith.index_cast %swap3A_141 : i32 to index
      %swap3A_143 = arith.constant 112 : index
      %swap3A_144 = tpu.vector_load %arg26[%swap3A_142, %swap3A_143] {strides = array<i32>} : memref<129x128xf32, #tpu.memory_space<vmem>>, vector<16xf32>,
      tpu.vector_store %arg26[%swap3A_142, %swap3A_143], %get3A_140 {strides = array<i32>} : memref<129x128xf32, #tpu.memory_space<vmem>>, vector<16xf32>,
      %scan3A_145 = arith.constant 0 : i32
      %scan3A_146 = arith.constant 0 : i32
      %scan3A_147 = arith.constant 16 : i32
      %scan3A_148 = arith.addi %scan3A_146, %scan3A_147 : i32
      %scan3A_149 = arith.constant 1 : i32
      %scan3A_150 = scf.for %scan3A_345 = %scan3A_146 to %scan3A_148 step %scan3A_149 iter_args(%scan3A_346 = %scan3A_145) -> (i32)  : i32 {
        %mul3A_347 = arith.constant 2048 : i32
        %mul3A_348 = arith.muli %add3A_11, %mul3A_347 : i32
        %mul3A_349 = arith.constant 128 : i32
        %mul3A_350 = arith.muli %scan3A_345, %mul3A_349 : i32
        %add3A_351 = arith.addi %mul3A_348, %mul3A_350 : i32
        "tpu.region"() ({
          %run_scoped3A_440 = tpu.sem_alloc : memref<!tpu.dma_semaphore, #tpu.memory_space<semaphore_mem>>
          %dma_start3A_441 = tpu.memref_slice %arg6[%add3A_351] : memref<131072xi32, #tpu.memory_space<hbm>> -> memref<128xi32, #tpu.memory_space<hbm>>
          %dma_start3A_442 = tpu.memref_slice %arg6[%add3A_351] : memref<131072xi32, #tpu.memory_space<hbm>> -> memref<128xi32, #tpu.memory_space<hbm>>
          tpu.enqueue_dma source(%dma_start3A_442 : memref<128xi32, #tpu.memory_space<hbm>>) target(%arg20 : memref<128xi32, #tpu.memory_space<vmem>>) target_semaphore(%run_scoped3A_440 : memref<!tpu.dma_semaphore, #tpu.memory_space<semaphore_mem>>)
          %dma_wait3A_443 = tpu.memref_slice %arg6[%add3A_351] : memref<131072xi32, #tpu.memory_space<hbm>> -> memref<128xi32, #tpu.memory_space<hbm>>
          %dma_wait3A_444 = tpu.memref_slice %arg6[%add3A_351] : memref<131072xi32, #tpu.memory_space<hbm>> -> memref<128xi32, #tpu.memory_space<hbm>>
          tpu.wait_dma2 semaphore(%run_scoped3A_440 : memref<!tpu.dma_semaphore, #tpu.memory_space<semaphore_mem>>) src(%dma_wait3A_444 : memref<128xi32, #tpu.memory_space<hbm>>) dst(%arg20 : memref<128xi32, #tpu.memory_space<vmem>>)
          tpu.yield
        }) : () -> ()
        "tpu.region"() ({
          %run_scoped3A_440 = tpu.sem_alloc : memref<!tpu.dma_semaphore, #tpu.memory_space<semaphore_mem>>
          %dma_start3A_441 = tpu.memref_slice %arg5[%add3A_351] : memref<131072xi32, #tpu.memory_space<hbm>> -> memref<128xi32, #tpu.memory_space<hbm>>
          %dma_start3A_442 = tpu.memref_slice %arg5[%add3A_351] : memref<131072xi32, #tpu.memory_space<hbm>> -> memref<128xi32, #tpu.memory_space<hbm>>
          tpu.enqueue_dma source(%dma_start3A_442 : memref<128xi32, #tpu.memory_space<hbm>>) target(%arg21 : memref<128xi32, #tpu.memory_space<vmem>>) target_semaphore(%run_scoped3A_440 : memref<!tpu.dma_semaphore, #tpu.memory_space<semaphore_mem>>)
          %dma_wait3A_443 = tpu.memref_slice %arg5[%add3A_351] : memref<131072xi32, #tpu.memory_space<hbm>> -> memref<128xi32, #tpu.memory_space<hbm>>
          %dma_wait3A_444 = tpu.memref_slice %arg5[%add3A_351] : memref<131072xi32, #tpu.memory_space<hbm>> -> memref<128xi32, #tpu.memory_space<hbm>>
          tpu.wait_dma2 semaphore(%run_scoped3A_440 : memref<!tpu.dma_semaphore, #tpu.memory_space<semaphore_mem>>) src(%dma_wait3A_444 : memref<128xi32, #tpu.memory_space<hbm>>) dst(%arg21 : memref<128xi32, #tpu.memory_space<vmem>>)
          tpu.yield
        }) : () -> ()
        %run_scoped3A = arith.constant 0 : i32
        "tpu.region"() ({
          %run_scoped3A_440 = tpu.sem_alloc : memref<!tpu.dma_semaphore, #tpu.memory_space<semaphore_mem>>
          %dma_start3A_441 = tpu.memref_slice %arg4[%run_scoped3A, %add3A_351] : memref<2x131072xi32, #tpu.memory_space<hbm>> -> memref<1x128xi32, #tpu.memory_space<hbm>>
          %dma_start3A_442 = tpu.memref_squeeze %dma_start3A_441 : memref<1x128xi32, #tpu.memory_space<hbm>> -> memref<128xi32, #tpu.memory_space<hbm>>
          %dma_start3A_443 = tpu.memref_slice %arg4[%run_scoped3A, %add3A_351] : memref<2x131072xi32, #tpu.memory_space<hbm>> -> memref<1x128xi32, #tpu.memory_space<hbm>>
          %dma_start3A_444 = tpu.memref_squeeze %dma_start3A_443 : memref<1x128xi32, #tpu.memory_space<hbm>> -> memref<128xi32, #tpu.memory_space<hbm>>
          tpu.enqueue_dma source(%dma_start3A_444 : memref<128xi32, #tpu.memory_space<hbm>>) target(%arg22 : memref<128xi32, #tpu.memory_space<vmem>>) target_semaphore(%run_scoped3A_440 : memref<!tpu.dma_semaphore, #tpu.memory_space<semaphore_mem>>)
          %dma_wait3A_445 = tpu.memref_slice %arg4[%run_scoped3A, %add3A_351] : memref<2x131072xi32, #tpu.memory_space<hbm>> -> memref<1x128xi32, #tpu.memory_space<hbm>>
          %dma_wait3A_446 = tpu.memref_squeeze %dma_wait3A_445 : memref<1x128xi32, #tpu.memory_space<hbm>> -> memref<128xi32, #tpu.memory_space<hbm>>
          %dma_wait3A_447 = tpu.memref_slice %arg4[%run_scoped3A, %add3A_351] : memref<2x131072xi32, #tpu.memory_space<hbm>> -> memref<1x128xi32, #tpu.memory_space<hbm>>
          %dma_wait3A_448 = tpu.memref_squeeze %dma_wait3A_447 : memref<1x128xi32, #tpu.memory_space<hbm>> -> memref<128xi32, #tpu.memory_space<hbm>>
          tpu.wait_dma2 semaphore(%run_scoped3A_440 : memref<!tpu.dma_semaphore, #tpu.memory_space<semaphore_mem>>) src(%dma_wait3A_448 : memref<128xi32, #tpu.memory_space<hbm>>) dst(%arg22 : memref<128xi32, #tpu.memory_space<vmem>>)
          tpu.yield
        }) : () -> ()
        %run_scoped3A_352 = arith.constant 1 : i32
        "tpu.region"() ({
          %run_scoped3A_440 = tpu.sem_alloc : memref<!tpu.dma_semaphore, #tpu.memory_space<semaphore_mem>>
          %dma_start3A_441 = tpu.memref_slice %arg4[%run_scoped3A_352, %add3A_351] : memref<2x131072xi32, #tpu.memory_space<hbm>> -> memref<1x128xi32, #tpu.memory_space<hbm>>
          %dma_start3A_442 = tpu.memref_squeeze %dma_start3A_441 : memref<1x128xi32, #tpu.memory_space<hbm>> -> memref<128xi32, #tpu.memory_space<hbm>>
          %dma_start3A_443 = tpu.memref_slice %arg4[%run_scoped3A_352, %add3A_351] : memref<2x131072xi32, #tpu.memory_space<hbm>> -> memref<1x128xi32, #tpu.memory_space<hbm>>
          %dma_start3A_444 = tpu.memref_squeeze %dma_start3A_443 : memref<1x128xi32, #tpu.memory_space<hbm>> -> memref<128xi32, #tpu.memory_space<hbm>>
          tpu.enqueue_dma source(%dma_start3A_444 : memref<128xi32, #tpu.memory_space<hbm>>) target(%arg23 : memref<128xi32, #tpu.memory_space<vmem>>) target_semaphore(%run_scoped3A_440 : memref<!tpu.dma_semaphore, #tpu.memory_space<semaphore_mem>>)
          %dma_wait3A_445 = tpu.memref_slice %arg4[%run_scoped3A_352, %add3A_351] : memref<2x131072xi32, #tpu.memory_space<hbm>> -> memref<1x128xi32, #tpu.memory_space<hbm>>
          %dma_wait3A_446 = tpu.memref_squeeze %dma_wait3A_445 : memref<1x128xi32, #tpu.memory_space<hbm>> -> memref<128xi32, #tpu.memory_space<hbm>>
          %dma_wait3A_447 = tpu.memref_slice %arg4[%run_scoped3A_352, %add3A_351] : memref<2x131072xi32, #tpu.memory_space<hbm>> -> memref<1x128xi32, #tpu.memory_space<hbm>>
          %dma_wait3A_448 = tpu.memref_squeeze %dma_wait3A_447 : memref<1x128xi32, #tpu.memory_space<hbm>> -> memref<128xi32, #tpu.memory_space<hbm>>
          tpu.wait_dma2 semaphore(%run_scoped3A_440 : memref<!tpu.dma_semaphore, #tpu.memory_space<semaphore_mem>>) src(%dma_wait3A_448 : memref<128xi32, #tpu.memory_space<hbm>>) dst(%arg23 : memref<128xi32, #tpu.memory_space<vmem>>)
          tpu.yield
        }) : () -> ()
        "tpu.region"() ({
          %run_scoped3A_440 = tpu.sem_alloc : memref<!tpu.dma_semaphore, #tpu.memory_space<semaphore_mem>>
          %dma_start3A_441 = arith.constant 0 : i32
          %dma_start3A_442 = tpu.memref_slice %arg3[%add3A_351, %dma_start3A_441] : memref<131072x4xf32, #tpu.memory_space<hbm>> -> memref<128x4xf32, #tpu.memory_space<hbm>>
          %dma_start3A_443 = arith.constant 0 : i32
          %dma_start3A_444 = tpu.memref_slice %arg3[%add3A_351, %dma_start3A_443] : memref<131072x4xf32, #tpu.memory_space<hbm>> -> memref<128x4xf32, #tpu.memory_space<hbm>>
          tpu.enqueue_dma source(%dma_start3A_444 : memref<128x4xf32, #tpu.memory_space<hbm>>) target(%arg19 : memref<128x4xf32, #tpu.memory_space<vmem>>) target_semaphore(%run_scoped3A_440 : memref<!tpu.dma_semaphore, #tpu.memory_space<semaphore_mem>>)
          %dma_wait3A_445 = arith.constant 0 : i32
          %dma_wait3A_446 = tpu.memref_slice %arg3[%add3A_351, %dma_wait3A_445] : memref<131072x4xf32, #tpu.memory_space<hbm>> -> memref<128x4xf32, #tpu.memory_space<hbm>>
          %dma_wait3A_447 = arith.constant 0 : i32
          %dma_wait3A_448 = tpu.memref_slice %arg3[%add3A_351, %dma_wait3A_447] : memref<131072x4xf32, #tpu.memory_space<hbm>> -> memref<128x4xf32, #tpu.memory_space<hbm>>
          tpu.wait_dma2 semaphore(%run_scoped3A_440 : memref<!tpu.dma_semaphore, #tpu.memory_space<semaphore_mem>>) src(%dma_wait3A_448 : memref<128x4xf32, #tpu.memory_space<hbm>>) dst(%arg19 : memref<128x4xf32, #tpu.memory_space<vmem>>)
          tpu.yield
        }) : () -> ()
        %dma_start3A = arith.constant 0 : i32
        %dma_start3A_353 = arith.constant 0 : i32
        %dma_start3A_354 = tpu.memref_slice %arg12[%dma_start3A, %dma_start3A_353] : memref<319389x128xf32, #tpu.memory_space<hbm>> -> memref<319389x128xf32, #tpu.memory_space<hbm>>
        tpu.enqueue_indirect_dma source(%dma_start3A_354 : memref<319389x128xf32, #tpu.memory_space<hbm>>) target(%arg25 : memref<128x128xf32, #tpu.memory_space<vmem>>) offsets(%arg20 : memref<128xi32, #tpu.memory_space<vmem>>) semaphore(%arg29 : memref<!tpu.dma_semaphore, #tpu.memory_space<semaphore_mem>>)
        %dma_wait3A = arith.constant 0 : i32
        %dma_wait3A_355 = arith.constant 0 : i32
        %dma_wait3A_356 = tpu.memref_slice %arg12[%dma_wait3A, %dma_wait3A_355] : memref<319389x128xf32, #tpu.memory_space<hbm>> -> memref<319389x128xf32, #tpu.memory_space<hbm>>
        tpu.wait_indirect_dma semaphore(%arg29 : memref<!tpu.dma_semaphore, #tpu.memory_space<semaphore_mem>>) src(%dma_wait3A_356 : memref<319389x128xf32, #tpu.memory_space<hbm>>) dst(%arg25 : memref<128x128xf32, #tpu.memory_space<vmem>>)
        %scan3A_357 = arith.constant 0 : i32
        %scan3A_358 = arith.constant 0 : i32
        %scan3A_359 = arith.constant 8 : i32
        %scan3A_360 = arith.addi %scan3A_358, %scan3A_359 : i32
        %scan3A_361 = arith.constant 1 : i32
        %scan3A_362 = scf.for %scan3A_440 = %scan3A_358 to %scan3A_360 step %scan3A_361 iter_args(%scan3A_441 = %scan3A_357) -> (i32)  : i32 {
          %mul3A_442 = arith.constant 16 : i32
          %mul3A_443 = arith.muli %scan3A_440, %mul3A_442 : i32
          %get3A_444 = arith.index_cast %mul3A_443 : i32 to index
          %get3A_445 = tpu.vector_load %arg21[%get3A_444] {strides = array<i32>} : memref<128xi32, #tpu.memory_space<vmem>>, vector<16xi32>,
          %mul3A_446 = arith.constant 16 : i32
          %mul3A_447 = arith.muli %scan3A_440, %mul3A_446 : i32
          %get3A_448 = arith.index_cast %mul3A_447 : i32 to index
          %get3A_449 = tpu.vector_load %arg22[%get3A_448] {strides = array<i32>} : memref<128xi32, #tpu.memory_space<vmem>>, vector<16xi32>,
          %mul3A_450 = arith.constant 16 : i32
          %mul3A_451 = arith.muli %scan3A_440, %mul3A_450 : i32
          %get3A_452 = arith.index_cast %mul3A_451 : i32 to index
          %get3A_453 = tpu.vector_load %arg23[%get3A_452] {strides = array<i32>} : memref<128xi32, #tpu.memory_space<vmem>>, vector<16xi32>,
          %mul3A_454 = arith.constant 2 : i32
          %mul3A_455 = vector.broadcast %mul3A_454 : i32 to vector<16xi32>
          %mul3A_456 = arith.muli %get3A_445, %mul3A_455 : vector<16xi32>
          %eq3A = arith.cmpi eq, %get3A_449, %get3A_453 : vector<16xi32>
          %convert_element_type3A = arith.extui %eq3A : vector<16xi1> to vector<16xi32>
          %add3A_457 = arith.addi %mul3A_456, %convert_element_type3A : vector<16xi32>
          %mul3A_458 = arith.constant 16 : i32
          %mul3A_459 = arith.muli %scan3A_440, %mul3A_458 : i32
          %swap3A_460 = arith.index_cast %mul3A_459 : i32 to index
          %swap3A_461 = tpu.vector_load %arg24[%swap3A_460] {strides = array<i32>} : memref<128xi32, #tpu.memory_space<vmem>>, vector<16xi32>,
          tpu.vector_store %arg24[%swap3A_460], %add3A_457 {strides = array<i32>} : memref<128xi32, #tpu.memory_space<vmem>>, vector<16xi32>,
          %scan3A_462 = arith.constant 0 : i32
          scf.yield %scan3A_462 : i32
        }
        %scan3A_363 = arith.constant 8 : i32
        %scan3A_364 = arith.constant 0 : i32
        %scan3A_365 = arith.constant 0 : i32
        %scan3A_366 = arith.constant 128 : i32
        %scan3A_367 = arith.addi %scan3A_365, %scan3A_366 : i32
        %scan3A_368 = arith.constant 1 : i32
        %scan3A_369 = scf.for %scan3A_440 = %scan3A_365 to %scan3A_367 step %scan3A_368 iter_args(%scan3A_441 = %scan3A_364) -> (i32)  : i32 {
          %broadcast_in_dim3A = vector.broadcast %scan3A_440 : i32 to vector<16xi32>
          %broadcast_in_dim3A_442 = arith.constant 0 : i32
          %broadcast_in_dim3A_443 = vector.broadcast %broadcast_in_dim3A_442 : i32 to vector<16xi32>
          %gather3A = tpu.vector_load_idx %arg19[%broadcast_in_dim3A, %broadcast_in_dim3A_443] : memref<128x4xf32, #tpu.memory_space<vmem>>[vector<16xi32>, vector<16xi32>], vector<16xf32>,
          %broadcast_in_dim3A_444 = vector.broadcast %scan3A_440 : i32 to vector<16xi32>
          %broadcast_in_dim3A_445 = arith.constant 1 : i32
          %broadcast_in_dim3A_446 = vector.broadcast %broadcast_in_dim3A_445 : i32 to vector<16xi32>
          %gather3A_447 = tpu.vector_load_idx %arg19[%broadcast_in_dim3A_444, %broadcast_in_dim3A_446] : memref<128x4xf32, #tpu.memory_space<vmem>>[vector<16xi32>, vector<16xi32>], vector<16xf32>,
          %broadcast_in_dim3A_448 = vector.broadcast %scan3A_440 : i32 to vector<16xi32>
          %broadcast_in_dim3A_449 = arith.constant 2 : i32
          %broadcast_in_dim3A_450 = vector.broadcast %broadcast_in_dim3A_449 : i32 to vector<16xi32>
          %gather3A_451 = tpu.vector_load_idx %arg19[%broadcast_in_dim3A_448, %broadcast_in_dim3A_450] : memref<128x4xf32, #tpu.memory_space<vmem>>[vector<16xi32>, vector<16xi32>], vector<16xf32>,
          %broadcast_in_dim3A_452 = vector.broadcast %scan3A_440 : i32 to vector<16xi32>
          %broadcast_in_dim3A_453 = arith.constant 3 : i32
          %broadcast_in_dim3A_454 = vector.broadcast %broadcast_in_dim3A_453 : i32 to vector<16xi32>
          %gather3A_455 = tpu.vector_load_idx %arg19[%broadcast_in_dim3A_452, %broadcast_in_dim3A_454] : memref<128x4xf32, #tpu.memory_space<vmem>>[vector<16xi32>, vector<16xi32>], vector<16xf32>,
          %broadcast_in_dim3A_456 = vector.broadcast %scan3A_440 : i32 to vector<16xi32>
          %gather3A_457 = tpu.vector_load_idx %arg24[%broadcast_in_dim3A_456] : memref<128xi32, #tpu.memory_space<vmem>>[vector<16xi32>], vector<16xi32>,
          %add3A_458 = arith.constant 0 : i32
          %add3A_459 = vector.broadcast %add3A_458 : i32 to vector<16xi32>
          %add3A_460 = arith.addi %iota3A, %add3A_459 : vector<16xi32>
          %gather3A_461 = tpu.vector_load_idx %arg17[%gather3A_457, %add3A_460] : memref<8x128xf32, #tpu.memory_space<vmem>>[vector<16xi32>, vector<16xi32>], vector<16xf32>,
          %get3A_462 = arith.index_cast %scan3A_440 : i32 to index
          %get3A_463 = arith.constant 0 : index
          %get3A_464 = tpu.vector_load %arg25[%get3A_462, %get3A_463] {strides = array<i32>} : memref<128x128xf32, #tpu.memory_space<vmem>>, vector<16xf32>,
          %add3A_465 = arith.addf %get3A_464, %gather3A_461 : vector<16xf32>
          %get3A_466 = arith.constant 0 : i32
          %get3A_467 = arith.index_cast %get3A_466 : i32 to index
          %get3A_468 = arith.constant 0 : index
          %get3A_469 = tpu.vector_load %arg15[%get3A_467, %get3A_468] {strides = array<i32>} : memref<4x128xf32, #tpu.memory_space<vmem>>, vector<16xf32>,
          %mul3A_470 = arith.mulf %gather3A, %get3A_469 : vector<16xf32>
          %add3A_471 = arith.addf %add3A_465, %mul3A_470 : vector<16xf32>
          %get3A_472 = arith.constant 1 : i32
          %get3A_473 = arith.index_cast %get3A_472 : i32 to index
          %get3A_474 = arith.constant 0 : index
          %get3A_475 = tpu.vector_load %arg15[%get3A_473, %get3A_474] {strides = array<i32>} : memref<4x128xf32, #tpu.memory_space<vmem>>, vector<16xf32>,
          %mul3A_476 = arith.mulf %gather3A_447, %get3A_475 : vector<16xf32>
          %add3A_477 = arith.addf %add3A_471, %mul3A_476 : vector<16xf32>
          %get3A_478 = arith.constant 2 : i32
          %get3A_479 = arith.index_cast %get3A_478 : i32 to index
          %get3A_480 = arith.constant 0 : index
          %get3A_481 = tpu.vector_load %arg15[%get3A_479, %get3A_480] {strides = array<i32>} : memref<4x128xf32, #tpu.memory_space<vmem>>, vector<16xf32>,
          %mul3A_482 = arith.mulf %gather3A_451, %get3A_481 : vector<16xf32>
          %add3A_483 = arith.addf %add3A_477, %mul3A_482 : vector<16xf32>
          %get3A_484 = arith.constant 3 : i32
          %get3A_485 = arith.index_cast %get3A_484 : i32 to index
          %get3A_486 = arith.constant 0 : index
          %get3A_487 = tpu.vector_load %arg15[%get3A_485, %get3A_486] {strides = array<i32>} : memref<4x128xf32, #tpu.memory_space<vmem>>, vector<16xf32>,
          %mul3A_488 = arith.mulf %gather3A_455, %get3A_487 : vector<16xf32>
          %add3A_489 = arith.addf %add3A_483, %mul3A_488 : vector<16xf32>
          %add3A_490 = arith.constant 1 : i32
          %add3A_491 = arith.addi %scan3A_440, %add3A_490 : i32
          %swap3A_492 = arith.index_cast %add3A_491 : i32 to index
          %swap3A_493 = arith.constant 0 : index
          %swap3A_494 = tpu.vector_load %arg26[%swap3A_492, %swap3A_493] {strides = array<i32>} : memref<129x128xf32, #tpu.memory_space<vmem>>, vector<16xf32>,
          tpu.vector_store %arg26[%swap3A_492, %swap3A_493], %add3A_489 {strides = array<i32>} : memref<129x128xf32, #tpu.memory_space<vmem>>, vector<16xf32>,
          %add3A_495 = arith.constant 16 : i32
          %add3A_496 = vector.broadcast %add3A_495 : i32 to vector<16xi32>
          %add3A_497 = arith.addi %iota3A, %add3A_496 : vector<16xi32>
          %gather3A_498 = tpu.vector_load_idx %arg17[%gather3A_457, %add3A_497] : memref<8x128xf32, #tpu.memory_space<vmem>>[vector<16xi32>, vector<16xi32>], vector<16xf32>,
          %get3A_499 = arith.index_cast %scan3A_440 : i32 to index
          %get3A_500 = arith.constant 16 : index
          %get3A_501 = tpu.vector_load %arg25[%get3A_499, %get3A_500] {strides = array<i32>} : memref<128x128xf32, #tpu.memory_space<vmem>>, vector<16xf32>,
          %add3A_502 = arith.addf %get3A_501, %gather3A_498 : vector<16xf32>
          %get3A_503 = arith.constant 0 : i32
          %get3A_504 = arith.index_cast %get3A_503 : i32 to index
          %get3A_505 = arith.constant 16 : index
          %get3A_506 = tpu.vector_load %arg15[%get3A_504, %get3A_505] {strides = array<i32>} : memref<4x128xf32, #tpu.memory_space<vmem>>, vector<16xf32>,
          %mul3A_507 = arith.mulf %gather3A, %get3A_506 : vector<16xf32>
          %add3A_508 = arith.addf %add3A_502, %mul3A_507 : vector<16xf32>
          %get3A_509 = arith.constant 1 : i32
          %get3A_510 = arith.index_cast %get3A_509 : i32 to index
          %get3A_511 = arith.constant 16 : index
          %get3A_512 = tpu.vector_load %arg15[%get3A_510, %get3A_511] {strides = array<i32>} : memref<4x128xf32, #tpu.memory_space<vmem>>, vector<16xf32>,
          %mul3A_513 = arith.mulf %gather3A_447, %get3A_512 : vector<16xf32>
          %add3A_514 = arith.addf %add3A_508, %mul3A_513 : vector<16xf32>
          %get3A_515 = arith.constant 2 : i32
          %get3A_516 = arith.index_cast %get3A_515 : i32 to index
          %get3A_517 = arith.constant 16 : index
          %get3A_518 = tpu.vector_load %arg15[%get3A_516, %get3A_517] {strides = array<i32>} : memref<4x128xf32, #tpu.memory_space<vmem>>, vector<16xf32>,
          %mul3A_519 = arith.mulf %gather3A_451, %get3A_518 : vector<16xf32>
          %add3A_520 = arith.addf %add3A_514, %mul3A_519 : vector<16xf32>
          %get3A_521 = arith.constant 3 : i32
          %get3A_522 = arith.index_cast %get3A_521 : i32 to index
          %get3A_523 = arith.constant 16 : index
          %get3A_524 = tpu.vector_load %arg15[%get3A_522, %get3A_523] {strides = array<i32>} : memref<4x128xf32, #tpu.memory_space<vmem>>, vector<16xf32>,
          %mul3A_525 = arith.mulf %gather3A_455, %get3A_524 : vector<16xf32>
          %add3A_526 = arith.addf %add3A_520, %mul3A_525 : vector<16xf32>
          %add3A_527 = arith.constant 1 : i32
          %add3A_528 = arith.addi %scan3A_440, %add3A_527 : i32
          %swap3A_529 = arith.index_cast %add3A_528 : i32 to index
          %swap3A_530 = arith.constant 16 : index
          %swap3A_531 = tpu.vector_load %arg26[%swap3A_529, %swap3A_530] {strides = array<i32>} : memref<129x128xf32, #tpu.memory_space<vmem>>, vector<16xf32>,
          tpu.vector_store %arg26[%swap3A_529, %swap3A_530], %add3A_526 {strides = array<i32>} : memref<129x128xf32, #tpu.memory_space<vmem>>, vector<16xf32>,
          %add3A_532 = arith.constant 32 : i32
          %add3A_533 = vector.broadcast %add3A_532 : i32 to vector<16xi32>
          %add3A_534 = arith.addi %iota3A, %add3A_533 : vector<16xi32>
          %gather3A_535 = tpu.vector_load_idx %arg17[%gather3A_457, %add3A_534] : memref<8x128xf32, #tpu.memory_space<vmem>>[vector<16xi32>, vector<16xi32>], vector<16xf32>,
          %get3A_536 = arith.index_cast %scan3A_440 : i32 to index
          %get3A_537 = arith.constant 32 : index
          %get3A_538 = tpu.vector_load %arg25[%get3A_536, %get3A_537] {strides = array<i32>} : memref<128x128xf32, #tpu.memory_space<vmem>>, vector<16xf32>,
          %add3A_539 = arith.addf %get3A_538, %gather3A_535 : vector<16xf32>
          %get3A_540 = arith.constant 0 : i32
          %get3A_541 = arith.index_cast %get3A_540 : i32 to index
          %get3A_542 = arith.constant 32 : index
          %get3A_543 = tpu.vector_load %arg15[%get3A_541, %get3A_542] {strides = array<i32>} : memref<4x128xf32, #tpu.memory_space<vmem>>, vector<16xf32>,
          %mul3A_544 = arith.mulf %gather3A, %get3A_543 : vector<16xf32>
          %add3A_545 = arith.addf %add3A_539, %mul3A_544 : vector<16xf32>
          %get3A_546 = arith.constant 1 : i32
          %get3A_547 = arith.index_cast %get3A_546 : i32 to index
          %get3A_548 = arith.constant 32 : index
          %get3A_549 = tpu.vector_load %arg15[%get3A_547, %get3A_548] {strides = array<i32>} : memref<4x128xf32, #tpu.memory_space<vmem>>, vector<16xf32>,
          %mul3A_550 = arith.mulf %gather3A_447, %get3A_549 : vector<16xf32>
          %add3A_551 = arith.addf %add3A_545, %mul3A_550 : vector<16xf32>
          %get3A_552 = arith.constant 2 : i32
          %get3A_553 = arith.index_cast %get3A_552 : i32 to index
          %get3A_554 = arith.constant 32 : index
          %get3A_555 = tpu.vector_load %arg15[%get3A_553, %get3A_554] {strides = array<i32>} : memref<4x128xf32, #tpu.memory_space<vmem>>, vector<16xf32>,
          %mul3A_556 = arith.mulf %gather3A_451, %get3A_555 : vector<16xf32>
          %add3A_557 = arith.addf %add3A_551, %mul3A_556 : vector<16xf32>
          %get3A_558 = arith.constant 3 : i32
          %get3A_559 = arith.index_cast %get3A_558 : i32 to index
          %get3A_560 = arith.constant 32 : index
          %get3A_561 = tpu.vector_load %arg15[%get3A_559, %get3A_560] {strides = array<i32>} : memref<4x128xf32, #tpu.memory_space<vmem>>, vector<16xf32>,
          %mul3A_562 = arith.mulf %gather3A_455, %get3A_561 : vector<16xf32>
          %add3A_563 = arith.addf %add3A_557, %mul3A_562 : vector<16xf32>
          %add3A_564 = arith.constant 1 : i32
          %add3A_565 = arith.addi %scan3A_440, %add3A_564 : i32
          %swap3A_566 = arith.index_cast %add3A_565 : i32 to index
          %swap3A_567 = arith.constant 32 : index
          %swap3A_568 = tpu.vector_load %arg26[%swap3A_566, %swap3A_567] {strides = array<i32>} : memref<129x128xf32, #tpu.memory_space<vmem>>, vector<16xf32>,
          tpu.vector_store %arg26[%swap3A_566, %swap3A_567], %add3A_563 {strides = array<i32>} : memref<129x128xf32, #tpu.memory_space<vmem>>, vector<16xf32>,
          %add3A_569 = arith.constant 48 : i32
          %add3A_570 = vector.broadcast %add3A_569 : i32 to vector<16xi32>
          %add3A_571 = arith.addi %iota3A, %add3A_570 : vector<16xi32>
          %gather3A_572 = tpu.vector_load_idx %arg17[%gather3A_457, %add3A_571] : memref<8x128xf32, #tpu.memory_space<vmem>>[vector<16xi32>, vector<16xi32>], vector<16xf32>,
          %get3A_573 = arith.index_cast %scan3A_440 : i32 to index
          %get3A_574 = arith.constant 48 : index
          %get3A_575 = tpu.vector_load %arg25[%get3A_573, %get3A_574] {strides = array<i32>} : memref<128x128xf32, #tpu.memory_space<vmem>>, vector<16xf32>,
          %add3A_576 = arith.addf %get3A_575, %gather3A_572 : vector<16xf32>
          %get3A_577 = arith.constant 0 : i32
          %get3A_578 = arith.index_cast %get3A_577 : i32 to index
          %get3A_579 = arith.constant 48 : index
          %get3A_580 = tpu.vector_load %arg15[%get3A_578, %get3A_579] {strides = array<i32>} : memref<4x128xf32, #tpu.memory_space<vmem>>, vector<16xf32>,
          %mul3A_581 = arith.mulf %gather3A, %get3A_580 : vector<16xf32>
          %add3A_582 = arith.addf %add3A_576, %mul3A_581 : vector<16xf32>
          %get3A_583 = arith.constant 1 : i32
          %get3A_584 = arith.index_cast %get3A_583 : i32 to index
          %get3A_585 = arith.constant 48 : index
          %get3A_586 = tpu.vector_load %arg15[%get3A_584, %get3A_585] {strides = array<i32>} : memref<4x128xf32, #tpu.memory_space<vmem>>, vector<16xf32>,
          %mul3A_587 = arith.mulf %gather3A_447, %get3A_586 : vector<16xf32>
          %add3A_588 = arith.addf %add3A_582, %mul3A_587 : vector<16xf32>
          %get3A_589 = arith.constant 2 : i32
          %get3A_590 = arith.index_cast %get3A_589 : i32 to index
          %get3A_591 = arith.constant 48 : index
          %get3A_592 = tpu.vector_load %arg15[%get3A_590, %get3A_591] {strides = array<i32>} : memref<4x128xf32, #tpu.memory_space<vmem>>, vector<16xf32>,
          %mul3A_593 = arith.mulf %gather3A_451, %get3A_592 : vector<16xf32>
          %add3A_594 = arith.addf %add3A_588, %mul3A_593 : vector<16xf32>
          %get3A_595 = arith.constant 3 : i32
          %get3A_596 = arith.index_cast %get3A_595 : i32 to index
          %get3A_597 = arith.constant 48 : index
          %get3A_598 = tpu.vector_load %arg15[%get3A_596, %get3A_597] {strides = array<i32>} : memref<4x128xf32, #tpu.memory_space<vmem>>, vector<16xf32>,
          %mul3A_599 = arith.mulf %gather3A_455, %get3A_598 : vector<16xf32>
          %add3A_600 = arith.addf %add3A_594, %mul3A_599 : vector<16xf32>
          %add3A_601 = arith.constant 1 : i32
          %add3A_602 = arith.addi %scan3A_440, %add3A_601 : i32
          %swap3A_603 = arith.index_cast %add3A_602 : i32 to index
          %swap3A_604 = arith.constant 48 : index
          %swap3A_605 = tpu.vector_load %arg26[%swap3A_603, %swap3A_604] {strides = array<i32>} : memref<129x128xf32, #tpu.memory_space<vmem>>, vector<16xf32>,
          tpu.vector_store %arg26[%swap3A_603, %swap3A_604], %add3A_600 {strides = array<i32>} : memref<129x128xf32, #tpu.memory_space<vmem>>, vector<16xf32>,
          %add3A_606 = arith.constant 64 : i32
          %add3A_607 = vector.broadcast %add3A_606 : i32 to vector<16xi32>
          %add3A_608 = arith.addi %iota3A, %add3A_607 : vector<16xi32>
          %gather3A_609 = tpu.vector_load_idx %arg17[%gather3A_457, %add3A_608] : memref<8x128xf32, #tpu.memory_space<vmem>>[vector<16xi32>, vector<16xi32>], vector<16xf32>,
          %get3A_610 = arith.index_cast %scan3A_440 : i32 to index
          %get3A_611 = arith.constant 64 : index
          %get3A_612 = tpu.vector_load %arg25[%get3A_610, %get3A_611] {strides = array<i32>} : memref<128x128xf32, #tpu.memory_space<vmem>>, vector<16xf32>,
          %add3A_613 = arith.addf %get3A_612, %gather3A_609 : vector<16xf32>
          %get3A_614 = arith.constant 0 : i32
          %get3A_615 = arith.index_cast %get3A_614 : i32 to index
          %get3A_616 = arith.constant 64 : index
          %get3A_617 = tpu.vector_load %arg15[%get3A_615, %get3A_616] {strides = array<i32>} : memref<4x128xf32, #tpu.memory_space<vmem>>, vector<16xf32>,
          %mul3A_618 = arith.mulf %gather3A, %get3A_617 : vector<16xf32>
          %add3A_619 = arith.addf %add3A_613, %mul3A_618 : vector<16xf32>
          %get3A_620 = arith.constant 1 : i32
          %get3A_621 = arith.index_cast %get3A_620 : i32 to index
          %get3A_622 = arith.constant 64 : index
          %get3A_623 = tpu.vector_load %arg15[%get3A_621, %get3A_622] {strides = array<i32>} : memref<4x128xf32, #tpu.memory_space<vmem>>, vector<16xf32>,
          %mul3A_624 = arith.mulf %gather3A_447, %get3A_623 : vector<16xf32>
          %add3A_625 = arith.addf %add3A_619, %mul3A_624 : vector<16xf32>
          %get3A_626 = arith.constant 2 : i32
          %get3A_627 = arith.index_cast %get3A_626 : i32 to index
          %get3A_628 = arith.constant 64 : index
          %get3A_629 = tpu.vector_load %arg15[%get3A_627, %get3A_628] {strides = array<i32>} : memref<4x128xf32, #tpu.memory_space<vmem>>, vector<16xf32>,
          %mul3A_630 = arith.mulf %gather3A_451, %get3A_629 : vector<16xf32>
          %add3A_631 = arith.addf %add3A_625, %mul3A_630 : vector<16xf32>
          %get3A_632 = arith.constant 3 : i32
          %get3A_633 = arith.index_cast %get3A_632 : i32 to index
          %get3A_634 = arith.constant 64 : index
          %get3A_635 = tpu.vector_load %arg15[%get3A_633, %get3A_634] {strides = array<i32>} : memref<4x128xf32, #tpu.memory_space<vmem>>, vector<16xf32>,
          %mul3A_636 = arith.mulf %gather3A_455, %get3A_635 : vector<16xf32>
          %add3A_637 = arith.addf %add3A_631, %mul3A_636 : vector<16xf32>
          %add3A_638 = arith.constant 1 : i32
          %add3A_639 = arith.addi %scan3A_440, %add3A_638 : i32
          %swap3A_640 = arith.index_cast %add3A_639 : i32 to index
          %swap3A_641 = arith.constant 64 : index
          %swap3A_642 = tpu.vector_load %arg26[%swap3A_640, %swap3A_641] {strides = array<i32>} : memref<129x128xf32, #tpu.memory_space<vmem>>, vector<16xf32>,
          tpu.vector_store %arg26[%swap3A_640, %swap3A_641], %add3A_637 {strides = array<i32>} : memref<129x128xf32, #tpu.memory_space<vmem>>, vector<16xf32>,
          %add3A_643 = arith.constant 80 : i32
          %add3A_644 = vector.broadcast %add3A_643 : i32 to vector<16xi32>
          %add3A_645 = arith.addi %iota3A, %add3A_644 : vector<16xi32>
          %gather3A_646 = tpu.vector_load_idx %arg17[%gather3A_457, %add3A_645] : memref<8x128xf32, #tpu.memory_space<vmem>>[vector<16xi32>, vector<16xi32>], vector<16xf32>,
          %get3A_647 = arith.index_cast %scan3A_440 : i32 to index
          %get3A_648 = arith.constant 80 : index
          %get3A_649 = tpu.vector_load %arg25[%get3A_647, %get3A_648] {strides = array<i32>} : memref<128x128xf32, #tpu.memory_space<vmem>>, vector<16xf32>,
          %add3A_650 = arith.addf %get3A_649, %gather3A_646 : vector<16xf32>
          %get3A_651 = arith.constant 0 : i32
          %get3A_652 = arith.index_cast %get3A_651 : i32 to index
          %get3A_653 = arith.constant 80 : index
          %get3A_654 = tpu.vector_load %arg15[%get3A_652, %get3A_653] {strides = array<i32>} : memref<4x128xf32, #tpu.memory_space<vmem>>, vector<16xf32>,
          %mul3A_655 = arith.mulf %gather3A, %get3A_654 : vector<16xf32>
          %add3A_656 = arith.addf %add3A_650, %mul3A_655 : vector<16xf32>
          %get3A_657 = arith.constant 1 : i32
          %get3A_658 = arith.index_cast %get3A_657 : i32 to index
          %get3A_659 = arith.constant 80 : index
          %get3A_660 = tpu.vector_load %arg15[%get3A_658, %get3A_659] {strides = array<i32>} : memref<4x128xf32, #tpu.memory_space<vmem>>, vector<16xf32>,
          %mul3A_661 = arith.mulf %gather3A_447, %get3A_660 : vector<16xf32>
          %add3A_662 = arith.addf %add3A_656, %mul3A_661 : vector<16xf32>
          %get3A_663 = arith.constant 2 : i32
          %get3A_664 = arith.index_cast %get3A_663 : i32 to index
          %get3A_665 = arith.constant 80 : index
          %get3A_666 = tpu.vector_load %arg15[%get3A_664, %get3A_665] {strides = array<i32>} : memref<4x128xf32, #tpu.memory_space<vmem>>, vector<16xf32>,
          %mul3A_667 = arith.mulf %gather3A_451, %get3A_666 : vector<16xf32>
          %add3A_668 = arith.addf %add3A_662, %mul3A_667 : vector<16xf32>
          %get3A_669 = arith.constant 3 : i32
          %get3A_670 = arith.index_cast %get3A_669 : i32 to index
          %get3A_671 = arith.constant 80 : index
          %get3A_672 = tpu.vector_load %arg15[%get3A_670, %get3A_671] {strides = array<i32>} : memref<4x128xf32, #tpu.memory_space<vmem>>, vector<16xf32>,
          %mul3A_673 = arith.mulf %gather3A_455, %get3A_672 : vector<16xf32>
          %add3A_674 = arith.addf %add3A_668, %mul3A_673 : vector<16xf32>
          %add3A_675 = arith.constant 1 : i32
          %add3A_676 = arith.addi %scan3A_440, %add3A_675 : i32
          %swap3A_677 = arith.index_cast %add3A_676 : i32 to index
          %swap3A_678 = arith.constant 80 : index
          %swap3A_679 = tpu.vector_load %arg26[%swap3A_677, %swap3A_678] {strides = array<i32>} : memref<129x128xf32, #tpu.memory_space<vmem>>, vector<16xf32>,
          tpu.vector_store %arg26[%swap3A_677, %swap3A_678], %add3A_674 {strides = array<i32>} : memref<129x128xf32, #tpu.memory_space<vmem>>, vector<16xf32>,
          %add3A_680 = arith.constant 96 : i32
          %add3A_681 = vector.broadcast %add3A_680 : i32 to vector<16xi32>
          %add3A_682 = arith.addi %iota3A, %add3A_681 : vector<16xi32>
          %gather3A_683 = tpu.vector_load_idx %arg17[%gather3A_457, %add3A_682] : memref<8x128xf32, #tpu.memory_space<vmem>>[vector<16xi32>, vector<16xi32>], vector<16xf32>,
          %get3A_684 = arith.index_cast %scan3A_440 : i32 to index
          %get3A_685 = arith.constant 96 : index
          %get3A_686 = tpu.vector_load %arg25[%get3A_684, %get3A_685] {strides = array<i32>} : memref<128x128xf32, #tpu.memory_space<vmem>>, vector<16xf32>,
          %add3A_687 = arith.addf %get3A_686, %gather3A_683 : vector<16xf32>
          %get3A_688 = arith.constant 0 : i32
          %get3A_689 = arith.index_cast %get3A_688 : i32 to index
          %get3A_690 = arith.constant 96 : index
          %get3A_691 = tpu.vector_load %arg15[%get3A_689, %get3A_690] {strides = array<i32>} : memref<4x128xf32, #tpu.memory_space<vmem>>, vector<16xf32>,
          %mul3A_692 = arith.mulf %gather3A, %get3A_691 : vector<16xf32>
          %add3A_693 = arith.addf %add3A_687, %mul3A_692 : vector<16xf32>
          %get3A_694 = arith.constant 1 : i32
          %get3A_695 = arith.index_cast %get3A_694 : i32 to index
          %get3A_696 = arith.constant 96 : index
          %get3A_697 = tpu.vector_load %arg15[%get3A_695, %get3A_696] {strides = array<i32>} : memref<4x128xf32, #tpu.memory_space<vmem>>, vector<16xf32>,
          %mul3A_698 = arith.mulf %gather3A_447, %get3A_697 : vector<16xf32>
          %add3A_699 = arith.addf %add3A_693, %mul3A_698 : vector<16xf32>
          %get3A_700 = arith.constant 2 : i32
          %get3A_701 = arith.index_cast %get3A_700 : i32 to index
          %get3A_702 = arith.constant 96 : index
          %get3A_703 = tpu.vector_load %arg15[%get3A_701, %get3A_702] {strides = array<i32>} : memref<4x128xf32, #tpu.memory_space<vmem>>, vector<16xf32>,
          %mul3A_704 = arith.mulf %gather3A_451, %get3A_703 : vector<16xf32>
          %add3A_705 = arith.addf %add3A_699, %mul3A_704 : vector<16xf32>
          %get3A_706 = arith.constant 3 : i32
          %get3A_707 = arith.index_cast %get3A_706 : i32 to index
          %get3A_708 = arith.constant 96 : index
          %get3A_709 = tpu.vector_load %arg15[%get3A_707, %get3A_708] {strides = array<i32>} : memref<4x128xf32, #tpu.memory_space<vmem>>, vector<16xf32>,
          %mul3A_710 = arith.mulf %gather3A_455, %get3A_709 : vector<16xf32>
          %add3A_711 = arith.addf %add3A_705, %mul3A_710 : vector<16xf32>
          %add3A_712 = arith.constant 1 : i32
          %add3A_713 = arith.addi %scan3A_440, %add3A_712 : i32
          %swap3A_714 = arith.index_cast %add3A_713 : i32 to index
          %swap3A_715 = arith.constant 96 : index
          %swap3A_716 = tpu.vector_load %arg26[%swap3A_714, %swap3A_715] {strides = array<i32>} : memref<129x128xf32, #tpu.memory_space<vmem>>, vector<16xf32>,
          tpu.vector_store %arg26[%swap3A_714, %swap3A_715], %add3A_711 {strides = array<i32>} : memref<129x128xf32, #tpu.memory_space<vmem>>, vector<16xf32>,
          %add3A_717 = arith.constant 112 : i32
          %add3A_718 = vector.broadcast %add3A_717 : i32 to vector<16xi32>
          %add3A_719 = arith.addi %iota3A, %add3A_718 : vector<16xi32>
          %gather3A_720 = tpu.vector_load_idx %arg17[%gather3A_457, %add3A_719] : memref<8x128xf32, #tpu.memory_space<vmem>>[vector<16xi32>, vector<16xi32>], vector<16xf32>,
          %get3A_721 = arith.index_cast %scan3A_440 : i32 to index
          %get3A_722 = arith.constant 112 : index
          %get3A_723 = tpu.vector_load %arg25[%get3A_721, %get3A_722] {strides = array<i32>} : memref<128x128xf32, #tpu.memory_space<vmem>>, vector<16xf32>,
          %add3A_724 = arith.addf %get3A_723, %gather3A_720 : vector<16xf32>
          %get3A_725 = arith.constant 0 : i32
          %get3A_726 = arith.index_cast %get3A_725 : i32 to index
          %get3A_727 = arith.constant 112 : index
          %get3A_728 = tpu.vector_load %arg15[%get3A_726, %get3A_727] {strides = array<i32>} : memref<4x128xf32, #tpu.memory_space<vmem>>, vector<16xf32>,
          %mul3A_729 = arith.mulf %gather3A, %get3A_728 : vector<16xf32>
          %add3A_730 = arith.addf %add3A_724, %mul3A_729 : vector<16xf32>
          %get3A_731 = arith.constant 1 : i32
          %get3A_732 = arith.index_cast %get3A_731 : i32 to index
          %get3A_733 = arith.constant 112 : index
          %get3A_734 = tpu.vector_load %arg15[%get3A_732, %get3A_733] {strides = array<i32>} : memref<4x128xf32, #tpu.memory_space<vmem>>, vector<16xf32>,
          %mul3A_735 = arith.mulf %gather3A_447, %get3A_734 : vector<16xf32>
          %add3A_736 = arith.addf %add3A_730, %mul3A_735 : vector<16xf32>
          %get3A_737 = arith.constant 2 : i32
          %get3A_738 = arith.index_cast %get3A_737 : i32 to index
          %get3A_739 = arith.constant 112 : index
          %get3A_740 = tpu.vector_load %arg15[%get3A_738, %get3A_739] {strides = array<i32>} : memref<4x128xf32, #tpu.memory_space<vmem>>, vector<16xf32>,
          %mul3A_741 = arith.mulf %gather3A_451, %get3A_740 : vector<16xf32>
          %add3A_742 = arith.addf %add3A_736, %mul3A_741 : vector<16xf32>
          %get3A_743 = arith.constant 3 : i32
          %get3A_744 = arith.index_cast %get3A_743 : i32 to index
          %get3A_745 = arith.constant 112 : index
          %get3A_746 = tpu.vector_load %arg15[%get3A_744, %get3A_745] {strides = array<i32>} : memref<4x128xf32, #tpu.memory_space<vmem>>, vector<16xf32>,
          %mul3A_747 = arith.mulf %gather3A_455, %get3A_746 : vector<16xf32>
          %add3A_748 = arith.addf %add3A_742, %mul3A_747 : vector<16xf32>
          %add3A_749 = arith.constant 1 : i32
          %add3A_750 = arith.addi %scan3A_440, %add3A_749 : i32
          %swap3A_751 = arith.index_cast %add3A_750 : i32 to index
          %swap3A_752 = arith.constant 112 : index
          %swap3A_753 = tpu.vector_load %arg26[%swap3A_751, %swap3A_752] {strides = array<i32>} : memref<129x128xf32, #tpu.memory_space<vmem>>, vector<16xf32>,
          tpu.vector_store %arg26[%swap3A_751, %swap3A_752], %add3A_748 {strides = array<i32>} : memref<129x128xf32, #tpu.memory_space<vmem>>, vector<16xf32>,
          %scan3A_754 = arith.constant 0 : i32
          scf.yield %scan3A_754 : i32
        }
        %scan3A_370 = arith.constant 128 : i32
        %mul3A_371 = arith.constant 128 : i32
        %mul3A_372 = arith.muli %scan3A_345, %mul3A_371 : i32
        %add3A_373 = arith.constant 512 : i32
        %add3A_374 = arith.addi %add3A_373, %mul3A_372 : i32
        "tpu.region"() ({
          %run_scoped3A_440 = tpu.sem_alloc : memref<!tpu.dma_semaphore, #tpu.memory_space<semaphore_mem>>
          %dma_start3A_441 = arith.constant 0 : i32
          %dma_start3A_442 = arith.constant 0 : i32
          %dma_start3A_443 = tpu.memref_slice %arg26[%dma_start3A_441, %dma_start3A_442] : memref<129x128xf32, #tpu.memory_space<vmem>> -> memref<128x128xf32, #tpu.memory_space<vmem>>
          %dma_start3A_444 = arith.constant 0 : i32
          %dma_start3A_445 = tpu.memref_slice %arg13[%add3A_11, %add3A_374, %dma_start3A_444] : memref<64x2563x128xf32, #tpu.memory_space<hbm>> -> memref<1x128x128xf32, #tpu.memory_space<hbm>>
          %dma_start3A_446 = tpu.memref_squeeze %dma_start3A_445 : memref<1x128x128xf32, #tpu.memory_space<hbm>> -> memref<128x128xf32, #tpu.memory_space<hbm>>
          %dma_start3A_447 = arith.constant 0 : i32
          %dma_start3A_448 = tpu.memref_slice %arg13[%add3A_11, %add3A_374, %dma_start3A_447] : memref<64x2563x128xf32, #tpu.memory_space<hbm>> -> memref<1x128x128xf32, #tpu.memory_space<hbm>>
          %dma_start3A_449 = tpu.memref_squeeze %dma_start3A_448 : memref<1x128x128xf32, #tpu.memory_space<hbm>> -> memref<128x128xf32, #tpu.memory_space<hbm>>
          %dma_start3A_450 = arith.constant 0 : i32
          %dma_start3A_451 = arith.constant 0 : i32
          %dma_start3A_452 = tpu.memref_slice %arg26[%dma_start3A_450, %dma_start3A_451] : memref<129x128xf32, #tpu.memory_space<vmem>> -> memref<128x128xf32, #tpu.memory_space<vmem>>
          tpu.enqueue_dma source(%dma_start3A_452 : memref<128x128xf32, #tpu.memory_space<vmem>>) target(%dma_start3A_449 : memref<128x128xf32, #tpu.memory_space<hbm>>) target_semaphore(%run_scoped3A_440 : memref<!tpu.dma_semaphore, #tpu.memory_space<semaphore_mem>>)
          %dma_wait3A_453 = arith.constant 0 : i32
          %dma_wait3A_454 = arith.constant 0 : i32
          %dma_wait3A_455 = tpu.memref_slice %arg26[%dma_wait3A_453, %dma_wait3A_454] : memref<129x128xf32, #tpu.memory_space<vmem>> -> memref<128x128xf32, #tpu.memory_space<vmem>>
          %dma_wait3A_456 = arith.constant 0 : i32
          %dma_wait3A_457 = tpu.memref_slice %arg13[%add3A_11, %add3A_374, %dma_wait3A_456] : memref<64x2563x128xf32, #tpu.memory_space<hbm>> -> memref<1x128x128xf32, #tpu.memory_space<hbm>>
          %dma_wait3A_458 = tpu.memref_squeeze %dma_wait3A_457 : memref<1x128x128xf32, #tpu.memory_space<hbm>> -> memref<128x128xf32, #tpu.memory_space<hbm>>
          %dma_wait3A_459 = arith.constant 0 : i32
          %dma_wait3A_460 = tpu.memref_slice %arg13[%add3A_11, %add3A_374, %dma_wait3A_459] : memref<64x2563x128xf32, #tpu.memory_space<hbm>> -> memref<1x128x128xf32, #tpu.memory_space<hbm>>
          %dma_wait3A_461 = tpu.memref_squeeze %dma_wait3A_460 : memref<1x128x128xf32, #tpu.memory_space<hbm>> -> memref<128x128xf32, #tpu.memory_space<hbm>>
          %dma_wait3A_462 = arith.constant 0 : i32
          %dma_wait3A_463 = arith.constant 0 : i32
          %dma_wait3A_464 = tpu.memref_slice %arg26[%dma_wait3A_462, %dma_wait3A_463] : memref<129x128xf32, #tpu.memory_space<vmem>> -> memref<128x128xf32, #tpu.memory_space<vmem>>
          tpu.wait_dma2 semaphore(%run_scoped3A_440 : memref<!tpu.dma_semaphore, #tpu.memory_space<semaphore_mem>>) src(%dma_wait3A_464 : memref<128x128xf32, #tpu.memory_space<vmem>>) dst(%dma_wait3A_461 : memref<128x128xf32, #tpu.memory_space<hbm>>)
          tpu.yield
        }) : () -> ()
        %get3A_375 = arith.constant 128 : i32
        %get3A_376 = arith.index_cast %get3A_375 : i32 to index
        %get3A_377 = arith.constant 0 : index
        %get3A_378 = tpu.vector_load %arg26[%get3A_376, %get3A_377] {strides = array<i32>} : memref<129x128xf32, #tpu.memory_space<vmem>>, vector<16xf32>,
        %swap3A_379 = arith.constant 0 : i32
        %swap3A_380 = arith.index_cast %swap3A_379 : i32 to index
        %swap3A_381 = arith.constant 0 : index
        %swap3A_382 = tpu.vector_load %arg26[%swap3A_380, %swap3A_381] {strides = array<i32>} : memref<129x128xf32, #tpu.memory_space<vmem>>, vector<16xf32>,
        tpu.vector_store %arg26[%swap3A_380, %swap3A_381], %get3A_378 {strides = array<i32>} : memref<129x128xf32, #tpu.memory_space<vmem>>, vector<16xf32>,
        %get3A_383 = arith.constant 128 : i32
        %get3A_384 = arith.index_cast %get3A_383 : i32 to index
        %get3A_385 = arith.constant 16 : index
        %get3A_386 = tpu.vector_load %arg26[%get3A_384, %get3A_385] {strides = array<i32>} : memref<129x128xf32, #tpu.memory_space<vmem>>, vector<16xf32>,
        %swap3A_387 = arith.constant 0 : i32
        %swap3A_388 = arith.index_cast %swap3A_387 : i32 to index
        %swap3A_389 = arith.constant 16 : index
        %swap3A_390 = tpu.vector_load %arg26[%swap3A_388, %swap3A_389] {strides = array<i32>} : memref<129x128xf32, #tpu.memory_space<vmem>>, vector<16xf32>,
        tpu.vector_store %arg26[%swap3A_388, %swap3A_389], %get3A_386 {strides = array<i32>} : memref<129x128xf32, #tpu.memory_space<vmem>>, vector<16xf32>,
        %get3A_391 = arith.constant 128 : i32
        %get3A_392 = arith.index_cast %get3A_391 : i32 to index
        %get3A_393 = arith.constant 32 : index
        %get3A_394 = tpu.vector_load %arg26[%get3A_392, %get3A_393] {strides = array<i32>} : memref<129x128xf32, #tpu.memory_space<vmem>>, vector<16xf32>,
        %swap3A_395 = arith.constant 0 : i32
        %swap3A_396 = arith.index_cast %swap3A_395 : i32 to index
        %swap3A_397 = arith.constant 32 : index
        %swap3A_398 = tpu.vector_load %arg26[%swap3A_396, %swap3A_397] {strides = array<i32>} : memref<129x128xf32, #tpu.memory_space<vmem>>, vector<16xf32>,
        tpu.vector_store %arg26[%swap3A_396, %swap3A_397], %get3A_394 {strides = array<i32>} : memref<129x128xf32, #tpu.memory_space<vmem>>, vector<16xf32>,
        %get3A_399 = arith.constant 128 : i32
        %get3A_400 = arith.index_cast %get3A_399 : i32 to index
        %get3A_401 = arith.constant 48 : index
        %get3A_402 = tpu.vector_load %arg26[%get3A_400, %get3A_401] {strides = array<i32>} : memref<129x128xf32, #tpu.memory_space<vmem>>, vector<16xf32>,
        %swap3A_403 = arith.constant 0 : i32
        %swap3A_404 = arith.index_cast %swap3A_403 : i32 to index
        %swap3A_405 = arith.constant 48 : index
        %swap3A_406 = tpu.vector_load %arg26[%swap3A_404, %swap3A_405] {strides = array<i32>} : memref<129x128xf32, #tpu.memory_space<vmem>>, vector<16xf32>,
        tpu.vector_store %arg26[%swap3A_404, %swap3A_405], %get3A_402 {strides = array<i32>} : memref<129x128xf32, #tpu.memory_space<vmem>>, vector<16xf32>,
        %get3A_407 = arith.constant 128 : i32
        %get3A_408 = arith.index_cast %get3A_407 : i32 to index
        %get3A_409 = arith.constant 64 : index
        %get3A_410 = tpu.vector_load %arg26[%get3A_408, %get3A_409] {strides = array<i32>} : memref<129x128xf32, #tpu.memory_space<vmem>>, vector<16xf32>,
        %swap3A_411 = arith.constant 0 : i32
        %swap3A_412 = arith.index_cast %swap3A_411 : i32 to index
        %swap3A_413 = arith.constant 64 : index
        %swap3A_414 = tpu.vector_load %arg26[%swap3A_412, %swap3A_413] {strides = array<i32>} : memref<129x128xf32, #tpu.memory_space<vmem>>, vector<16xf32>,
        tpu.vector_store %arg26[%swap3A_412, %swap3A_413], %get3A_410 {strides = array<i32>} : memref<129x128xf32, #tpu.memory_space<vmem>>, vector<16xf32>,
        %get3A_415 = arith.constant 128 : i32
        %get3A_416 = arith.index_cast %get3A_415 : i32 to index
        %get3A_417 = arith.constant 80 : index
        %get3A_418 = tpu.vector_load %arg26[%get3A_416, %get3A_417] {strides = array<i32>} : memref<129x128xf32, #tpu.memory_space<vmem>>, vector<16xf32>,
        %swap3A_419 = arith.constant 0 : i32
        %swap3A_420 = arith.index_cast %swap3A_419 : i32 to index
        %swap3A_421 = arith.constant 80 : index
        %swap3A_422 = tpu.vector_load %arg26[%swap3A_420, %swap3A_421] {strides = array<i32>} : memref<129x128xf32, #tpu.memory_space<vmem>>, vector<16xf32>,
        tpu.vector_store %arg26[%swap3A_420, %swap3A_421], %get3A_418 {strides = array<i32>} : memref<129x128xf32, #tpu.memory_space<vmem>>, vector<16xf32>,
        %get3A_423 = arith.constant 128 : i32
        %get3A_424 = arith.index_cast %get3A_423 : i32 to index
        %get3A_425 = arith.constant 96 : index
        %get3A_426 = tpu.vector_load %arg26[%get3A_424, %get3A_425] {strides = array<i32>} : memref<129x128xf32, #tpu.memory_space<vmem>>, vector<16xf32>,
        %swap3A_427 = arith.constant 0 : i32
        %swap3A_428 = arith.index_cast %swap3A_427 : i32 to index
        %swap3A_429 = arith.constant 96 : index
        %swap3A_430 = tpu.vector_load %arg26[%swap3A_428, %swap3A_429] {strides = array<i32>} : memref<129x128xf32, #tpu.memory_space<vmem>>, vector<16xf32>,
        tpu.vector_store %arg26[%swap3A_428, %swap3A_429], %get3A_426 {strides = array<i32>} : memref<129x128xf32, #tpu.memory_space<vmem>>, vector<16xf32>,
        %get3A_431 = arith.constant 128 : i32
        %get3A_432 = arith.index_cast %get3A_431 : i32 to index
        %get3A_433 = arith.constant 112 : index
        %get3A_434 = tpu.vector_load %arg26[%get3A_432, %get3A_433] {strides = array<i32>} : memref<129x128xf32, #tpu.memory_space<vmem>>, vector<16xf32>,
        %swap3A_435 = arith.constant 0 : i32
        %swap3A_436 = arith.index_cast %swap3A_435 : i32 to index
        %swap3A_437 = arith.constant 112 : index
        %swap3A_438 = tpu.vector_load %arg26[%swap3A_436, %swap3A_437] {strides = array<i32>} : memref<129x128xf32, #tpu.memory_space<vmem>>, vector<16xf32>,
        tpu.vector_store %arg26[%swap3A_436, %swap3A_437], %get3A_434 {strides = array<i32>} : memref<129x128xf32, #tpu.memory_space<vmem>>, vector<16xf32>,
        %scan3A_439 = arith.constant 0 : i32
        scf.yield %scan3A_439 : i32
      }
      %scan3A_151 = arith.constant 16 : i32
      %get3A_152 = arith.constant 0 : i32
      %get3A_153 = arith.index_cast %get3A_152 : i32 to index
      %get3A_154 = arith.constant 0 : index
      %get3A_155 = tpu.vector_load %arg26[%get3A_153, %get3A_154] {strides = array<i32>} : memref<129x128xf32, #tpu.memory_space<vmem>>, vector<16xf32>,
      %swap3A_156 = arith.constant 0 : i32
      %swap3A_157 = arith.index_cast %swap3A_156 : i32 to index
      %swap3A_158 = arith.constant 0 : index
      %swap3A_159 = tpu.vector_load %arg28[%swap3A_157, %swap3A_158] {strides = array<i32>} : memref<3x128xf32, #tpu.memory_space<vmem>>, vector<16xf32>,
      tpu.vector_store %arg28[%swap3A_157, %swap3A_158], %get3A_155 {strides = array<i32>} : memref<3x128xf32, #tpu.memory_space<vmem>>, vector<16xf32>,
      %get3A_160 = arith.constant 1 : i32
      %get3A_161 = arith.index_cast %get3A_160 : i32 to index
      %get3A_162 = arith.constant 0 : index
      %get3A_163 = tpu.vector_load %arg18[%get3A_161, %get3A_162] {strides = array<i32>} : memref<3x128xf32, #tpu.memory_space<vmem>>, vector<16xf32>,
      %swap3A_164 = arith.constant 1 : i32
      %swap3A_165 = arith.index_cast %swap3A_164 : i32 to index
      %swap3A_166 = arith.constant 0 : index
      %swap3A_167 = tpu.vector_load %arg28[%swap3A_165, %swap3A_166] {strides = array<i32>} : memref<3x128xf32, #tpu.memory_space<vmem>>, vector<16xf32>,
      tpu.vector_store %arg28[%swap3A_165, %swap3A_166], %get3A_163 {strides = array<i32>} : memref<3x128xf32, #tpu.memory_space<vmem>>, vector<16xf32>,
      %get3A_168 = arith.constant 2 : i32
      %get3A_169 = arith.index_cast %get3A_168 : i32 to index
      %get3A_170 = arith.constant 0 : index
      %get3A_171 = tpu.vector_load %arg18[%get3A_169, %get3A_170] {strides = array<i32>} : memref<3x128xf32, #tpu.memory_space<vmem>>, vector<16xf32>,
      %swap3A_172 = arith.constant 2 : i32
      %swap3A_173 = arith.index_cast %swap3A_172 : i32 to index
      %swap3A_174 = arith.constant 0 : index
      %swap3A_175 = tpu.vector_load %arg28[%swap3A_173, %swap3A_174] {strides = array<i32>} : memref<3x128xf32, #tpu.memory_space<vmem>>, vector<16xf32>,
      tpu.vector_store %arg28[%swap3A_173, %swap3A_174], %get3A_171 {strides = array<i32>} : memref<3x128xf32, #tpu.memory_space<vmem>>, vector<16xf32>,
      %get3A_176 = arith.constant 0 : i32
      %get3A_177 = arith.index_cast %get3A_176 : i32 to index
      %get3A_178 = arith.constant 16 : index
      %get3A_179 = tpu.vector_load %arg26[%get3A_177, %get3A_178] {strides = array<i32>} : memref<129x128xf32, #tpu.memory_space<vmem>>, vector<16xf32>,
      %swap3A_180 = arith.constant 0 : i32
      %swap3A_181 = arith.index_cast %swap3A_180 : i32 to index
      %swap3A_182 = arith.constant 16 : index
      %swap3A_183 = tpu.vector_load %arg28[%swap3A_181, %swap3A_182] {strides = array<i32>} : memref<3x128xf32, #tpu.memory_space<vmem>>, vector<16xf32>,
      tpu.vector_store %arg28[%swap3A_181, %swap3A_182], %get3A_179 {strides = array<i32>} : memref<3x128xf32, #tpu.memory_space<vmem>>, vector<16xf32>,
      %get3A_184 = arith.constant 1 : i32
      %get3A_185 = arith.index_cast %get3A_184 : i32 to index
      %get3A_186 = arith.constant 16 : index
      %get3A_187 = tpu.vector_load %arg18[%get3A_185, %get3A_186] {strides = array<i32>} : memref<3x128xf32, #tpu.memory_space<vmem>>, vector<16xf32>,
      %swap3A_188 = arith.constant 1 : i32
      %swap3A_189 = arith.index_cast %swap3A_188 : i32 to index
      %swap3A_190 = arith.constant 16 : index
      %swap3A_191 = tpu.vector_load %arg28[%swap3A_189, %swap3A_190] {strides = array<i32>} : memref<3x128xf32, #tpu.memory_space<vmem>>, vector<16xf32>,
      tpu.vector_store %arg28[%swap3A_189, %swap3A_190], %get3A_187 {strides = array<i32>} : memref<3x128xf32, #tpu.memory_space<vmem>>, vector<16xf32>,
      %get3A_192 = arith.constant 2 : i32
      %get3A_193 = arith.index_cast %get3A_192 : i32 to index
      %get3A_194 = arith.constant 16 : index
      %get3A_195 = tpu.vector_load %arg18[%get3A_193, %get3A_194] {strides = array<i32>} : memref<3x128xf32, #tpu.memory_space<vmem>>, vector<16xf32>,
      %swap3A_196 = arith.constant 2 : i32
      %swap3A_197 = arith.index_cast %swap3A_196 : i32 to index
      %swap3A_198 = arith.constant 16 : index
      %swap3A_199 = tpu.vector_load %arg28[%swap3A_197, %swap3A_198] {strides = array<i32>} : memref<3x128xf32, #tpu.memory_space<vmem>>, vector<16xf32>,
      tpu.vector_store %arg28[%swap3A_197, %swap3A_198], %get3A_195 {strides = array<i32>} : memref<3x128xf32, #tpu.memory_space<vmem>>, vector<16xf32>,
      %get3A_200 = arith.constant 0 : i32
      %get3A_201 = arith.index_cast %get3A_200 : i32 to index
      %get3A_202 = arith.constant 32 : index
      %get3A_203 = tpu.vector_load %arg26[%get3A_201, %get3A_202] {strides = array<i32>} : memref<129x128xf32, #tpu.memory_space<vmem>>, vector<16xf32>,
      %swap3A_204 = arith.constant 0 : i32
      %swap3A_205 = arith.index_cast %swap3A_204 : i32 to index
      %swap3A_206 = arith.constant 32 : index
      %swap3A_207 = tpu.vector_load %arg28[%swap3A_205, %swap3A_206] {strides = array<i32>} : memref<3x128xf32, #tpu.memory_space<vmem>>, vector<16xf32>,
      tpu.vector_store %arg28[%swap3A_205, %swap3A_206], %get3A_203 {strides = array<i32>} : memref<3x128xf32, #tpu.memory_space<vmem>>, vector<16xf32>,
      %get3A_208 = arith.constant 1 : i32
      %get3A_209 = arith.index_cast %get3A_208 : i32 to index
      %get3A_210 = arith.constant 32 : index
      %get3A_211 = tpu.vector_load %arg18[%get3A_209, %get3A_210] {strides = array<i32>} : memref<3x128xf32, #tpu.memory_space<vmem>>, vector<16xf32>,
      %swap3A_212 = arith.constant 1 : i32
      %swap3A_213 = arith.index_cast %swap3A_212 : i32 to index
      %swap3A_214 = arith.constant 32 : index
      %swap3A_215 = tpu.vector_load %arg28[%swap3A_213, %swap3A_214] {strides = array<i32>} : memref<3x128xf32, #tpu.memory_space<vmem>>, vector<16xf32>,
      tpu.vector_store %arg28[%swap3A_213, %swap3A_214], %get3A_211 {strides = array<i32>} : memref<3x128xf32, #tpu.memory_space<vmem>>, vector<16xf32>,
      %get3A_216 = arith.constant 2 : i32
      %get3A_217 = arith.index_cast %get3A_216 : i32 to index
      %get3A_218 = arith.constant 32 : index
      %get3A_219 = tpu.vector_load %arg18[%get3A_217, %get3A_218] {strides = array<i32>} : memref<3x128xf32, #tpu.memory_space<vmem>>, vector<16xf32>,
      %swap3A_220 = arith.constant 2 : i32
      %swap3A_221 = arith.index_cast %swap3A_220 : i32 to index
      %swap3A_222 = arith.constant 32 : index
      %swap3A_223 = tpu.vector_load %arg28[%swap3A_221, %swap3A_222] {strides = array<i32>} : memref<3x128xf32, #tpu.memory_space<vmem>>, vector<16xf32>,
      tpu.vector_store %arg28[%swap3A_221, %swap3A_222], %get3A_219 {strides = array<i32>} : memref<3x128xf32, #tpu.memory_space<vmem>>, vector<16xf32>,
      %get3A_224 = arith.constant 0 : i32
      %get3A_225 = arith.index_cast %get3A_224 : i32 to index
      %get3A_226 = arith.constant 48 : index
      %get3A_227 = tpu.vector_load %arg26[%get3A_225, %get3A_226] {strides = array<i32>} : memref<129x128xf32, #tpu.memory_space<vmem>>, vector<16xf32>,
      %swap3A_228 = arith.constant 0 : i32
      %swap3A_229 = arith.index_cast %swap3A_228 : i32 to index
      %swap3A_230 = arith.constant 48 : index
      %swap3A_231 = tpu.vector_load %arg28[%swap3A_229, %swap3A_230] {strides = array<i32>} : memref<3x128xf32, #tpu.memory_space<vmem>>, vector<16xf32>,
      tpu.vector_store %arg28[%swap3A_229, %swap3A_230], %get3A_227 {strides = array<i32>} : memref<3x128xf32, #tpu.memory_space<vmem>>, vector<16xf32>,
      %get3A_232 = arith.constant 1 : i32
      %get3A_233 = arith.index_cast %get3A_232 : i32 to index
      %get3A_234 = arith.constant 48 : index
      %get3A_235 = tpu.vector_load %arg18[%get3A_233, %get3A_234] {strides = array<i32>} : memref<3x128xf32, #tpu.memory_space<vmem>>, vector<16xf32>,
      %swap3A_236 = arith.constant 1 : i32
      %swap3A_237 = arith.index_cast %swap3A_236 : i32 to index
      %swap3A_238 = arith.constant 48 : index
      %swap3A_239 = tpu.vector_load %arg28[%swap3A_237, %swap3A_238] {strides = array<i32>} : memref<3x128xf32, #tpu.memory_space<vmem>>, vector<16xf32>,
      tpu.vector_store %arg28[%swap3A_237, %swap3A_238], %get3A_235 {strides = array<i32>} : memref<3x128xf32, #tpu.memory_space<vmem>>, vector<16xf32>,
      %get3A_240 = arith.constant 2 : i32
      %get3A_241 = arith.index_cast %get3A_240 : i32 to index
      %get3A_242 = arith.constant 48 : index
      %get3A_243 = tpu.vector_load %arg18[%get3A_241, %get3A_242] {strides = array<i32>} : memref<3x128xf32, #tpu.memory_space<vmem>>, vector<16xf32>,
      %swap3A_244 = arith.constant 2 : i32
      %swap3A_245 = arith.index_cast %swap3A_244 : i32 to index
      %swap3A_246 = arith.constant 48 : index
      %swap3A_247 = tpu.vector_load %arg28[%swap3A_245, %swap3A_246] {strides = array<i32>} : memref<3x128xf32, #tpu.memory_space<vmem>>, vector<16xf32>,
      tpu.vector_store %arg28[%swap3A_245, %swap3A_246], %get3A_243 {strides = array<i32>} : memref<3x128xf32, #tpu.memory_space<vmem>>, vector<16xf32>,
      %get3A_248 = arith.constant 0 : i32
      %get3A_249 = arith.index_cast %get3A_248 : i32 to index
      %get3A_250 = arith.constant 64 : index
      %get3A_251 = tpu.vector_load %arg26[%get3A_249, %get3A_250] {strides = array<i32>} : memref<129x128xf32, #tpu.memory_space<vmem>>, vector<16xf32>,
      %swap3A_252 = arith.constant 0 : i32
      %swap3A_253 = arith.index_cast %swap3A_252 : i32 to index
      %swap3A_254 = arith.constant 64 : index
      %swap3A_255 = tpu.vector_load %arg28[%swap3A_253, %swap3A_254] {strides = array<i32>} : memref<3x128xf32, #tpu.memory_space<vmem>>, vector<16xf32>,
      tpu.vector_store %arg28[%swap3A_253, %swap3A_254], %get3A_251 {strides = array<i32>} : memref<3x128xf32, #tpu.memory_space<vmem>>, vector<16xf32>,
      %get3A_256 = arith.constant 1 : i32
      %get3A_257 = arith.index_cast %get3A_256 : i32 to index
      %get3A_258 = arith.constant 64 : index
      %get3A_259 = tpu.vector_load %arg18[%get3A_257, %get3A_258] {strides = array<i32>} : memref<3x128xf32, #tpu.memory_space<vmem>>, vector<16xf32>,
      %swap3A_260 = arith.constant 1 : i32
      %swap3A_261 = arith.index_cast %swap3A_260 : i32 to index
      %swap3A_262 = arith.constant 64 : index
      %swap3A_263 = tpu.vector_load %arg28[%swap3A_261, %swap3A_262] {strides = array<i32>} : memref<3x128xf32, #tpu.memory_space<vmem>>, vector<16xf32>,
      tpu.vector_store %arg28[%swap3A_261, %swap3A_262], %get3A_259 {strides = array<i32>} : memref<3x128xf32, #tpu.memory_space<vmem>>, vector<16xf32>,
      %get3A_264 = arith.constant 2 : i32
      %get3A_265 = arith.index_cast %get3A_264 : i32 to index
      %get3A_266 = arith.constant 64 : index
      %get3A_267 = tpu.vector_load %arg18[%get3A_265, %get3A_266] {strides = array<i32>} : memref<3x128xf32, #tpu.memory_space<vmem>>, vector<16xf32>,
      %swap3A_268 = arith.constant 2 : i32
      %swap3A_269 = arith.index_cast %swap3A_268 : i32 to index
      %swap3A_270 = arith.constant 64 : index
      %swap3A_271 = tpu.vector_load %arg28[%swap3A_269, %swap3A_270] {strides = array<i32>} : memref<3x128xf32, #tpu.memory_space<vmem>>, vector<16xf32>,
      tpu.vector_store %arg28[%swap3A_269, %swap3A_270], %get3A_267 {strides = array<i32>} : memref<3x128xf32, #tpu.memory_space<vmem>>, vector<16xf32>,
      %get3A_272 = arith.constant 0 : i32
      %get3A_273 = arith.index_cast %get3A_272 : i32 to index
      %get3A_274 = arith.constant 80 : index
      %get3A_275 = tpu.vector_load %arg26[%get3A_273, %get3A_274] {strides = array<i32>} : memref<129x128xf32, #tpu.memory_space<vmem>>, vector<16xf32>,
      %swap3A_276 = arith.constant 0 : i32
      %swap3A_277 = arith.index_cast %swap3A_276 : i32 to index
      %swap3A_278 = arith.constant 80 : index
      %swap3A_279 = tpu.vector_load %arg28[%swap3A_277, %swap3A_278] {strides = array<i32>} : memref<3x128xf32, #tpu.memory_space<vmem>>, vector<16xf32>,
      tpu.vector_store %arg28[%swap3A_277, %swap3A_278], %get3A_275 {strides = array<i32>} : memref<3x128xf32, #tpu.memory_space<vmem>>, vector<16xf32>,
      %get3A_280 = arith.constant 1 : i32
      %get3A_281 = arith.index_cast %get3A_280 : i32 to index
      %get3A_282 = arith.constant 80 : index
      %get3A_283 = tpu.vector_load %arg18[%get3A_281, %get3A_282] {strides = array<i32>} : memref<3x128xf32, #tpu.memory_space<vmem>>, vector<16xf32>,
      %swap3A_284 = arith.constant 1 : i32
      %swap3A_285 = arith.index_cast %swap3A_284 : i32 to index
      %swap3A_286 = arith.constant 80 : index
      %swap3A_287 = tpu.vector_load %arg28[%swap3A_285, %swap3A_286] {strides = array<i32>} : memref<3x128xf32, #tpu.memory_space<vmem>>, vector<16xf32>,
      tpu.vector_store %arg28[%swap3A_285, %swap3A_286], %get3A_283 {strides = array<i32>} : memref<3x128xf32, #tpu.memory_space<vmem>>, vector<16xf32>,
      %get3A_288 = arith.constant 2 : i32
      %get3A_289 = arith.index_cast %get3A_288 : i32 to index
      %get3A_290 = arith.constant 80 : index
      %get3A_291 = tpu.vector_load %arg18[%get3A_289, %get3A_290] {strides = array<i32>} : memref<3x128xf32, #tpu.memory_space<vmem>>, vector<16xf32>,
      %swap3A_292 = arith.constant 2 : i32
      %swap3A_293 = arith.index_cast %swap3A_292 : i32 to index
      %swap3A_294 = arith.constant 80 : index
      %swap3A_295 = tpu.vector_load %arg28[%swap3A_293, %swap3A_294] {strides = array<i32>} : memref<3x128xf32, #tpu.memory_space<vmem>>, vector<16xf32>,
      tpu.vector_store %arg28[%swap3A_293, %swap3A_294], %get3A_291 {strides = array<i32>} : memref<3x128xf32, #tpu.memory_space<vmem>>, vector<16xf32>,
      %get3A_296 = arith.constant 0 : i32
      %get3A_297 = arith.index_cast %get3A_296 : i32 to index
      %get3A_298 = arith.constant 96 : index
      %get3A_299 = tpu.vector_load %arg26[%get3A_297, %get3A_298] {strides = array<i32>} : memref<129x128xf32, #tpu.memory_space<vmem>>, vector<16xf32>,
      %swap3A_300 = arith.constant 0 : i32
      %swap3A_301 = arith.index_cast %swap3A_300 : i32 to index
      %swap3A_302 = arith.constant 96 : index
      %swap3A_303 = tpu.vector_load %arg28[%swap3A_301, %swap3A_302] {strides = array<i32>} : memref<3x128xf32, #tpu.memory_space<vmem>>, vector<16xf32>,
      tpu.vector_store %arg28[%swap3A_301, %swap3A_302], %get3A_299 {strides = array<i32>} : memref<3x128xf32, #tpu.memory_space<vmem>>, vector<16xf32>,
      %get3A_304 = arith.constant 1 : i32
      %get3A_305 = arith.index_cast %get3A_304 : i32 to index
      %get3A_306 = arith.constant 96 : index
      %get3A_307 = tpu.vector_load %arg18[%get3A_305, %get3A_306] {strides = array<i32>} : memref<3x128xf32, #tpu.memory_space<vmem>>, vector<16xf32>,
      %swap3A_308 = arith.constant 1 : i32
      %swap3A_309 = arith.index_cast %swap3A_308 : i32 to index
      %swap3A_310 = arith.constant 96 : index
      %swap3A_311 = tpu.vector_load %arg28[%swap3A_309, %swap3A_310] {strides = array<i32>} : memref<3x128xf32, #tpu.memory_space<vmem>>, vector<16xf32>,
      tpu.vector_store %arg28[%swap3A_309, %swap3A_310], %get3A_307 {strides = array<i32>} : memref<3x128xf32, #tpu.memory_space<vmem>>, vector<16xf32>,
      %get3A_312 = arith.constant 2 : i32
      %get3A_313 = arith.index_cast %get3A_312 : i32 to index
      %get3A_314 = arith.constant 96 : index
      %get3A_315 = tpu.vector_load %arg18[%get3A_313, %get3A_314] {strides = array<i32>} : memref<3x128xf32, #tpu.memory_space<vmem>>, vector<16xf32>,
      %swap3A_316 = arith.constant 2 : i32
      %swap3A_317 = arith.index_cast %swap3A_316 : i32 to index
      %swap3A_318 = arith.constant 96 : index
      %swap3A_319 = tpu.vector_load %arg28[%swap3A_317, %swap3A_318] {strides = array<i32>} : memref<3x128xf32, #tpu.memory_space<vmem>>, vector<16xf32>,
      tpu.vector_store %arg28[%swap3A_317, %swap3A_318], %get3A_315 {strides = array<i32>} : memref<3x128xf32, #tpu.memory_space<vmem>>, vector<16xf32>,
      %get3A_320 = arith.constant 0 : i32
      %get3A_321 = arith.index_cast %get3A_320 : i32 to index
      %get3A_322 = arith.constant 112 : index
      %get3A_323 = tpu.vector_load %arg26[%get3A_321, %get3A_322] {strides = array<i32>} : memref<129x128xf32, #tpu.memory_space<vmem>>, vector<16xf32>,
      %swap3A_324 = arith.constant 0 : i32
      %swap3A_325 = arith.index_cast %swap3A_324 : i32 to index
      %swap3A_326 = arith.constant 112 : index
      %swap3A_327 = tpu.vector_load %arg28[%swap3A_325, %swap3A_326] {strides = array<i32>} : memref<3x128xf32, #tpu.memory_space<vmem>>, vector<16xf32>,
      tpu.vector_store %arg28[%swap3A_325, %swap3A_326], %get3A_323 {strides = array<i32>} : memref<3x128xf32, #tpu.memory_space<vmem>>, vector<16xf32>,
      %get3A_328 = arith.constant 1 : i32
      %get3A_329 = arith.index_cast %get3A_328 : i32 to index
      %get3A_330 = arith.constant 112 : index
      %get3A_331 = tpu.vector_load %arg18[%get3A_329, %get3A_330] {strides = array<i32>} : memref<3x128xf32, #tpu.memory_space<vmem>>, vector<16xf32>,
      %swap3A_332 = arith.constant 1 : i32
      %swap3A_333 = arith.index_cast %swap3A_332 : i32 to index
      %swap3A_334 = arith.constant 112 : index
      %swap3A_335 = tpu.vector_load %arg28[%swap3A_333, %swap3A_334] {strides = array<i32>} : memref<3x128xf32, #tpu.memory_space<vmem>>, vector<16xf32>,
      tpu.vector_store %arg28[%swap3A_333, %swap3A_334], %get3A_331 {strides = array<i32>} : memref<3x128xf32, #tpu.memory_space<vmem>>, vector<16xf32>,
      %get3A_336 = arith.constant 2 : i32
      %get3A_337 = arith.index_cast %get3A_336 : i32 to index
      %get3A_338 = arith.constant 112 : index
      %get3A_339 = tpu.vector_load %arg18[%get3A_337, %get3A_338] {strides = array<i32>} : memref<3x128xf32, #tpu.memory_space<vmem>>, vector<16xf32>,
      %swap3A_340 = arith.constant 2 : i32
      %swap3A_341 = arith.index_cast %swap3A_340 : i32 to index
      %swap3A_342 = arith.constant 112 : index
      %swap3A_343 = tpu.vector_load %arg28[%swap3A_341, %swap3A_342] {strides = array<i32>} : memref<3x128xf32, #tpu.memory_space<vmem>>, vector<16xf32>,
      tpu.vector_store %arg28[%swap3A_341, %swap3A_342], %get3A_339 {strides = array<i32>} : memref<3x128xf32, #tpu.memory_space<vmem>>, vector<16xf32>,
      "tpu.region"() ({
        %run_scoped3A = tpu.sem_alloc : memref<!tpu.dma_semaphore, #tpu.memory_space<semaphore_mem>>
        %dma_start3A = arith.constant 2560 : i32
        %dma_start3A_345 = arith.constant 0 : i32
        %dma_start3A_346 = tpu.memref_slice %arg13[%add3A_11, %dma_start3A, %dma_start3A_345] : memref<64x2563x128xf32, #tpu.memory_space<hbm>> -> memref<1x3x128xf32, #tpu.memory_space<hbm>>
        %dma_start3A_347 = tpu.memref_squeeze %dma_start3A_346 : memref<1x3x128xf32, #tpu.memory_space<hbm>> -> memref<3x128xf32, #tpu.memory_space<hbm>>
        %dma_start3A_348 = arith.constant 2560 : i32
        %dma_start3A_349 = arith.constant 0 : i32
        %dma_start3A_350 = tpu.memref_slice %arg13[%add3A_11, %dma_start3A_348, %dma_start3A_349] : memref<64x2563x128xf32, #tpu.memory_space<hbm>> -> memref<1x3x128xf32, #tpu.memory_space<hbm>>
        %dma_start3A_351 = tpu.memref_squeeze %dma_start3A_350 : memref<1x3x128xf32, #tpu.memory_space<hbm>> -> memref<3x128xf32, #tpu.memory_space<hbm>>
        tpu.enqueue_dma source(%arg28 : memref<3x128xf32, #tpu.memory_space<vmem>>) target(%dma_start3A_351 : memref<3x128xf32, #tpu.memory_space<hbm>>) target_semaphore(%run_scoped3A : memref<!tpu.dma_semaphore, #tpu.memory_space<semaphore_mem>>)
        %dma_wait3A = arith.constant 2560 : i32
        %dma_wait3A_352 = arith.constant 0 : i32
        %dma_wait3A_353 = tpu.memref_slice %arg13[%add3A_11, %dma_wait3A, %dma_wait3A_352] : memref<64x2563x128xf32, #tpu.memory_space<hbm>> -> memref<1x3x128xf32, #tpu.memory_space<hbm>>
        %dma_wait3A_354 = tpu.memref_squeeze %dma_wait3A_353 : memref<1x3x128xf32, #tpu.memory_space<hbm>> -> memref<3x128xf32, #tpu.memory_space<hbm>>
        %dma_wait3A_355 = arith.constant 2560 : i32
        %dma_wait3A_356 = arith.constant 0 : i32
        %dma_wait3A_357 = tpu.memref_slice %arg13[%add3A_11, %dma_wait3A_355, %dma_wait3A_356] : memref<64x2563x128xf32, #tpu.memory_space<hbm>> -> memref<1x3x128xf32, #tpu.memory_space<hbm>>
        %dma_wait3A_358 = tpu.memref_squeeze %dma_wait3A_357 : memref<1x3x128xf32, #tpu.memory_space<hbm>> -> memref<3x128xf32, #tpu.memory_space<hbm>>
        tpu.wait_dma2 semaphore(%run_scoped3A : memref<!tpu.dma_semaphore, #tpu.memory_space<semaphore_mem>>) src(%arg28 : memref<3x128xf32, #tpu.memory_space<vmem>>) dst(%dma_wait3A_358 : memref<3x128xf32, #tpu.memory_space<hbm>>)
        tpu.yield
      }) : () -> ()
      %scan3A_344 = arith.constant 0 : i32
      scf.yield %scan3A_344 : i32
    }
    %scan3A_6 = arith.constant 2 : i32
    return
  }
}

</mosaic_0001>

<sc_bundles>
// kernel: kernel.3.cloned.1.call-start
scs
__scs_entry_jumppad:
0x0: {  	(pc) =	sbr.rel $0x88, $3  }
0x1: {  	(tag) =	ssettag $0x0;
	lr =	simm.s32 $0x1  }
0x2: {  	[smem:$0x3F93] =	sst lr;
	_ =	strace $0xD0000000  }
0x3: {  	_ = 	snop  }
0x4: {  	_ = 	snop  }
0x5: {  	_ = 	snop  }
0x6: {  	_ = 	snop  }
0x7: {  	_ = 	snop  }
__scs_overlays_trampoline_lowered:
0x8: {  	[smem:$0x3FA2] =	sst s0  }
0x9: {  	[smem:$0x3FA3] =	sst s1  }
0xa: {  	[smem:$0x3FA4] =	sst s2  }
0xb: {  	[smem:$0x3FA5] =	sst s3  }
0xc: {  	[smem:$0x3FA6] =	sst s4  }
0xd: {  	[smem:$0x3FA7] =	sst s5  }
0xe: {  	[smem:$0x3FA8] =	sst s6  }
0xf: {  	[smem:$0x3FA9] =	sst s7  }
0x10: {  	[smem:$0x3FAA] =	sst s8  }
0x11: {  	[smem:$0x3FAB] =	sst s9;
	s0 =	simm.s32 @!p0 $0x0  }
0x12: {  	s1 =	sld [smem:$0x3F91];
	s0 =	simm.s32 @p0 $0x1  }
0x13: {  	[smem:$0x3FAC] =	sst s0;
	s0 =	simm.s32 @!p1 $0x0  }
0x14: {  	s2 =	sld [smem:$0x3F90];
	s0 =	simm.s32 @p1 $0x1  }
0x15: {  	[smem:$0x3FAD] =	sst s0;
	s0 =	simm.s32 @!p2 $0x0  }
0x16: {  	s3 =	sld [smem:$0x3FDB];
	s0 =	simm.s32 @p2 $0x1  }
0x17: {  	s4 =	simm.s32 $0x1BF5;
	[smem:$0x3FAF] =	sst s0  }
0x18: {  	s0 =	sld [smem:$0x3F92];
	_ =	swait.ge [sflag:s4], $0x0  }
0x19: {  	s7 =	sld [smem:$0x3F93]  }
0x1a: {  	s8 =	sadd.s32 $0xFFFFE003, lr  }
0x1b: {  	s9 =	sadd.s32 $0xFFFFFEF7, lr;
	s5 =	simm.s32 $0xFFFFFFFF;
	p2 =	slt.u32 s8, $0xFFFFF086  }
0x1c: {  	p1 =	slt.u32 s9, $0xF7A;
	s5 =	simm.s32 @!p2 $0x0  }
0x1d: {  	s5 =	simm.s32 @p1 $0x1;
	p0 =	seq.s32 s7, s2  }
0x1e: {  	s7 =	smul.u32 @!p0 $0xF7A, s2;
	p2 =	seq.s32 @!p0 s5, $0x0  }
0x1f: {  	s9 =	smul.u32 $0xF7A, s1;
	s8 =	simm.s32 @!p0 $0x1BF5;
	p2 =	por !p2, p0  }
0x20: {  	[sflag:s8] =	ssyncset.s32 @!p0 $0xFFFFF086;
	s6 =	sadd.s32 @!p0 s3, s7;
	s7 =	simm.s32 @!p0 $0x108  }
0x21: {  	s3 =	sadd.s32 s3, s9;
	s6 =	sadd.s32 @!p0 $0x88, s6;
	s7 =	simm.s32 @p2 $0x1082  }
0x22: {  	[simem:s7], [sflag:s8] =	dma.local @!p0 [hbm:s6], $0xF7A  }
0x23: {  	s9 =	sor.u32 $0xD0000000, s2;
	s6 =	simm.s32 $0x108;
	_ =	swait.ge @!p0 [sflag:s8], $0x0  }
0x24: {  	s3 =	sadd.s32 $0x88, s3;
	s6 =	simm.s32 @!p1 $0x1082;
	[sflag:s4] =	ssyncset.s32 $0xFFFFF086  }
0x25: {  	[simem:s6], [sflag:s4] =	dma.local [hbm:s3], $0xF7A  }
0x26: {  	[smem:$0x3F93] =	sst s1;
	(tag) =	ssettag s2;
	_ =	strace s9  }
0x27: {  	s1 =	sld [smem:$0x3FA3]  }
0x28: {  	s2 =	sld [smem:$0x3FA4]  }
0x29: {  	s4 =	sld [smem:$0x3FA6]  }
0x2a: {  	p0 =	seq.s32 s5, $0x0;
	s5 =	sld [smem:$0x3FA7]  }
0x2b: {  	s6 =	sld [smem:$0x3FA8]  }
0x2c: {  	s7 =	sld [smem:$0x3FA9]  }
0x2d: {  	s3 =	simm.s32 $0x108;
	s8 =	sld [smem:$0x3FAA]  }
0x2e: {  	s3 =	simm.s32 @!p0 $0x1082;
	s9 =	sld [smem:$0x3FAB]  }
0x2f: {  	lr =	sadd.s32 s0, s3;
	s0 =	sld [smem:$0x3FA2]  }
0x30: {  	s3 =	sld [smem:$0x3FA5]  }
0x31: {  	[smem:$0x3FAE] =	sst s10  }
0x32: {  	s10 =	sld [smem:$0x3FAC];
	_ =	sdelay $0x3  }
0x33: {  	p0 =	seq.s32 s10, $0x1;
	s10 =	sld [smem:$0x3FAE];
	_ =	sdelay $0x3  }
0x34: {  	[smem:$0x3FAE] =	sst s10  }
0x35: {  	s10 =	sld [smem:$0x3FAD];
	_ =	sdelay $0x3  }
0x36: {  	p1 =	seq.s32 s10, $0x1;
	s10 =	sld [smem:$0x3FAE];
	_ =	sdelay $0x3  }
0x37: {  	[smem:$0x3FAE] =	sst s10  }
0x38: {  	s10 =	sld [smem:$0x3FAF]  }
0x39: {  	_ = 	snop;
	(pc) =	sbr.ind lr, $3  }
0x3a: {  	_ = 	snop  }
0x3b: {  	_ = 	snop  }
0x3c: {  	p2 =	seq.s32 s10, $0x1;
	s10 =	sld [smem:$0x3FAE]  }
0x3d: {  	_ =	shalt  }
0x3e: {  	_ =	shalt  }
0x3f: {  	_ =	shalt  }
0x40: {  	_ =	shalt  }
0x41: {  	_ =	shalt  }
0x42: {  	_ =	shalt  }
0x43: {  	_ =	shalt  }
0x44: {  	_ =	shalt  }
0x45: {  	_ =	shalt  }
0x46: {  	_ =	shalt  }
0x47: {  	_ =	shalt  }
0x48: {  	_ =	shalt  }
0x49: {  	_ =	shalt  }
0x4a: {  	_ =	shalt  }
0x4b: {  	_ =	shalt  }
0x4c: {  	_ =	shalt  }
0x4d: {  	_ =	shalt  }
0x4e: {  	_ =	shalt  }
0x4f: {  	_ =	shalt  }
0x50: {  	_ =	shalt  }
0x51: {  	_ =	shalt  }
0x52: {  	_ =	shalt  }
0x53: {  	_ =	shalt  }
0x54: {  	_ =	shalt  }
0x55: {  	_ =	shalt  }
0x56: {  	_ =	shalt  }
0x57: {  	_ =	shalt  }
0x58: {  	_ =	shalt  }
0x59: {  	_ =	shalt  }
0x5a: {  	_ =	shalt  }
0x5b: {  	_ =	shalt  }
0x5c: {  	_ =	shalt  }
0x5d: {  	_ =	shalt  }
0x5e: {  	_ =	shalt  }
0x5f: {  	_ =	shalt  }
0x60: {  	_ =	shalt  }
0x61: {  	_ =	shalt  }
0x62: {  	_ =	shalt  }
0x63: {  	_ =	shalt  }
0x64: {  	_ =	shalt  }
0x65: {  	_ =	shalt  }
0x66: {  	_ =	shalt  }
0x67: {  	_ =	shalt  }
0x68: {  	_ =	shalt  }
0x69: {  	_ =	shalt  }
0x6a: {  	_ =	shalt  }
0x6b: {  	_ =	shalt  }
0x6c: {  	_ =	shalt  }
0x6d: {  	_ =	shalt  }
0x6e: {  	_ =	shalt  }
0x6f: {  	_ =	shalt  }
0x70: {  	_ =	shalt  }
0x71: {  	_ =	shalt  }
0x72: {  	_ =	shalt  }
0x73: {  	_ =	shalt  }
0x74: {  	_ =	shalt  }
0x75: {  	_ =	shalt  }
0x76: {  	_ =	shalt  }
0x77: {  	_ =	shalt  }
0x78: {  	_ =	shalt  }
0x79: {  	_ =	shalt  }
0x7a: {  	_ =	shalt  }
0x7b: {  	_ =	shalt  }
0x7c: {  	_ =	shalt  }
0x7d: {  	_ =	shalt  }
0x7e: {  	_ =	shalt  }
0x7f: {  	_ =	shalt  }
0x80: {  	_ =	shalt  }
0x81: {  	_ =	shalt  }
0x82: {  	_ =	shalt  }
0x83: {  	_ =	shalt  }
0x84: {  	_ =	shalt  }
0x85: {  	_ =	shalt  }
0x86: {  	_ =	shalt  }
0x87: {  	_ =	shalt  }
.Lfunc_end0:
.L_simem_size_0:
called_computation_lowered:
.L_overlay_start_0:
0x88: {  	s2 =	sld [smem:$0x3FD9]  }
0x89: {  	s3 =	sld [smem:$0x3FFE];
	_ =	sdelay $0x1  }
0x8a: {  	s1 =	srdreg.scid  }
0x8b: {  	s0 =	sand.u32 $0x1, s1  }
0x8c: {  	s17 =	sshll.u32 s0, $0xA;
	s2 =	sadd.s32 s3, s2  }
0x8d: {  	s2 =	sadd.s32 s2, s17  }
0x8e: {  	[smem:$0x3FBA] =	sst s2  }
0x8f: {  	_ = 	snop  }
0x90: {  	s2 =	sld [smem:$0x3FC7]  }
0x91: {  	s18 =	sld [smem:$0x3FC6]  }
0x92: {  	s4 =	sld [smem:$0x3FC5]  }
0x93: {  	s5 =	sld [smem:$0x3FC4]  }
0x94: {  	s6 =	sld [smem:$0x3FC2]  }
0x95: {  	s7 =	sld [smem:$0x3FBC]  }
0x96: {  	s8 =	sld [smem:$0x3FD0];
	(tm) =	ssettm $0x1  }
0x97: {  	s9 =	sld [smem:$0x3FFB];
	_ =	sdelay $0x3  }
0x98: {  	_ =	strace s9  }
0x99: {  	s9 =	sld [smem:$0x3FFC];
	_ =	sdelay $0x3  }
0x9a: {  	_ =	strace s9  }
0x9b: {  	s9 =	sld [smem:$0x3FFD];
	_ =	sdelay $0x3  }
0x9c: {  	_ =	strace s9  }
0x9d: {  	_ =	strace $0x8FFFFFFF  }
0x9e: {  	s19 =	sld [smem:$0x3FDB];
	_ =	sdelay $0x1  }
0x9f: {  	s10 =	simm.s32 $_scs_section_size  }
0xa0: {  	s11 =	simm.s32 $_size__tile_overlayer_lowered;
	s12 =	simm.s32 $_tile_overlayer_lowered  }
0xa1: {  	s22 =	simm.s32 $0x1BFF;
	s21 =	sshll.u32 s12, $0x1;
	s9 =	sadd.s32 s10, s19  }
0xa2: {  	s13 =	simm.s32 $0x0;
	s20 =	sshll.u32 s11, $0x1;
	s11 =	sadd.s32 s21, s9  }
0xa3: {  	[timem:s13], [sflag:s22] =	dma.local [hbm:s11], s20  }
0xa4: {  	_ =	swait.ge [sflag:s22], s20  }
0xa5: {  	s10 =	ssub.s32 $0x0, s20;
	[sflag:s22] =	ssyncset.done $0x0  }
0xa6: {  	[sflag:s22] =	ssyncadd.s32 s10;
	_ =	sdelay $0x1  }
0xa7: {  	s23 =	simm.s32 $0x1B8B  }
0xa8: {  	_ =	swait.ge [sflag:s23], $0x1  }
0xa9: {  	[sflag:s23] =	ssyncset.done $0x0  }
0xaa: {  	s25 =	simm.s32 $0x1B8E;
	s24 =	sld [smem:$0x3FFE];
	[sflag:s23] =	ssyncadd.s32 $0xFFFFFFFF  }
0xab: {  	s26 =	simm.s32 $execute0_lowered;
	[smem:$0x3FD2] =	sst s25  }
0xac: {  	s11 =	sshll.u32 s26, $0x1;
	_ =	strace $0x80000046;
	[dreg:$0x1] =	wrdreg $0xFFFFFFFF  }
0xad: {  	s28 =	simm.s32 $_size_execute0_lowered;
	s9 =	sadd.s32 s9, s11;
	[dreg:$0x0] =	wrdreg $0x0  }
0xae: {  	s11 =	sshll.u32 s28, $0x1;
	[dreg:$0x2] =	wrdreg s9  }
0xaf: {  	[dreg:$0x3] =	wrdreg s11  }
0xb0: {  	[dreg:$0x4] =	wrdreg $0xC0  }
0xb1: {  	_ =	task [dreg:s13], $0x5FFFF  }
0xb2: {  	[dreg:$0x1] =	wrdreg $0xFFFFFFFF  }
0xb3: {  	[dreg:$0x0] =	wrdreg $0x60  }
0xb4: {  	[dreg:$0x2] =	wrdreg s24  }
0xb5: {  	[dreg:$0x3] =	wrdreg s8  }
0xb6: {  	[dreg:$0x4] =	wrdreg s2  }
0xb7: {  	[dreg:$0x5] =	wrdreg s18  }
0xb8: {  	[dreg:$0x6] =	wrdreg s4  }
0xb9: {  	[dreg:$0x7] =	wrdreg s5  }
0xba: {  	[dreg:$0x8] =	wrdreg s6  }
0xbb: {  	[dreg:$0x9] =	wrdreg s7  }
0xbc: {  	[dreg:$0xa] =	wrdreg $0x9  }
0xbd: {  	_ =	task.clear_ibuf [dreg:s13], $0xBFFFF;
	_ =	strace $0x90000046  }
0xbe: {  	s29 =	simm.s32 $0x9;
	_ =	strace $0x80000048  }
0xbf: {  	_ =	swait.ge [sflag:s29], $0x1  }
0xc0: {  	[sflag:s29] =	ssyncadd.s32 $0xFFFFFFFF  }
0xc1: {  	_ =	strace $0x90000048  }
0xc2: {  	_ =	sfence  }
0xc3: {  	s30 =	sld [smem:$0x0];
	_ =	sdelay $0x2  }
0xc4: {  	s31 =	sshll.u32 s1, $0xD;
	s1 =	sshrl.u32 s1, $0x2  }
0xc5: {  	s3 =	sand.u32 $0x4000, s31;
	s1 =	sadd.s32 s1, s30  }
0xc6: {  	s0 =	sor.u32 s3, s0;
	s1 =	sshll.u32 s1, $0x11  }
0xc7: {  	s0 =	sor.u32 s1, s0  }
0xc8: {  	s0 =	sadd.s32 $0x8F2B, s0  }
0xc9: {  	[sflag:s0] =	ssyncadd.remote.s32 $0x1  }
0xca: {  	_ =	sfence.sel $0xFFFF  }
0xcb: {  	[dreg:$0x0] =	wrdreg $0xFFFFFFFF;
	(pc) =	sbr.abs _section_cstart, $3  }
0xcc: {  	[dreg:$0x1] =	wrdreg $0xFFFFFFFF  }
0xcd: {  	_ =	task.clear_ibuf [dreg:s13], $0x2FFFF;
	_ =	strace $0x9FFFFFFF  }
0xce: {  	(tm) =	ssettm $0x7FFFFFFF  }
0xcf: {  	_ =	shalt  }
tec
execute0_lowered:
.L_overlay_start_1:
0x0: {  	(tag) =	ssettag $0x1  }
0x1: {  	s1 =	rddreg [dreg:$0x0]  }
0x2: {  	s2 =	rddreg [dreg:$0x2]  }
0x3: {  	s3 =	rddreg [dreg:$0x3]  }
0x4: {  	s4 =	rddreg [dreg:$0x4]  }
0x5: {  	s7 =	rddreg [dreg:$0x7]  }
0x6: {  	s8 =	simm.s32 $0x0;
	s5 =	srdreg.scid;
	s23 =	stileid.u32  }
0x7: {  	s18 =	simm.s32 $0x2;
	s28 =	simm.s32 $0x4B80;
	s29 =	simm.s32 $0x4C00  }
0x8: {  	s30 =	simm.s32 $0x80;
	s31 =	simm.s32 $0x4D00;
	s11 =	simm.s32 $0x4C80  }
0x9: {  	[smem:$0x7FF] =	sst s8;
	s0 =	sadd.s32 $0x1000, s1;
	s20 =	sadd.s32 $0xE00, s1  }
0xa: {  	s5 =	sand.u32 $0x1, s5;
	_ =	strace $0x80000047;
	[dreg:$0x9] =	wrdreg s0  }
0xb: {  	s21 =	sadd.s32 $0x81000, s1;
	s22 =	sadd.s32 $0x81200, s1;
	[dreg:$0xa] =	wrdreg s20  }
0xc: {  	s14 =	sadd.s32 $0x81400, s1;
	s25 =	sshll.u32 s23, $0x2;
	[dreg:$0xb] =	wrdreg s21  }
0xd: {  	s16 =	sadd.s32 $0x10, s2;
	s23 =	simm.s32 $0xA80;
	[dreg:$0xc] =	wrdreg s22  }
0xe: {  	s6 =	ssub.s32 $0x2, s5;
	s5 =	sshll.u32 s5, $0x1;
	s21 =	simm.s32 $0x480  }
0xf: {  	v0 =	vlaneseq.u32;
	s24 =	sshrl.u32 s6, $0x1;
	s0 =	sor.u32 s5, s25;
	s25 =	simm.s32 $0x4A80  }
0x10: {  	v1 =	vimm.s32 $0x0;
	v2 =	vor.u32 $0x10, v0;
	s5 =	simm.s32 $0x8D00;
	s1 =	ssub.s32 s6, s24;
	[dreg:$0xd] =	wrdreg s0  }
0x11: {  	v3 =	vor.u32 $0x20, v0;
	v4 =	vor.u32 $0x30, v0;
	v5 =	vor.u32 $0x40, v0;
	s24 =	simm.s32 $0xD100;
	s6 =	simm.s32 $0x0;
	s26 =	smax.u32 s1, $0x1  }
0x12: {  	v6 =	vor.u32 $0x50, v0;
	v7 =	vor.u32 $0x60, v0;
	v8 =	vor.u32 $0x70, v0;
	s1 =	simm.s32 $0x1;
	[dreg:$0xe] =	wrdreg s26;
	s26 =	simm.s32 $0x4B00  }
.LBB2_1:
0x13: {  	[dreg:$0xf] =	wrdreg s6  }
0x14: {  	s0 =	rddreg [dreg:$0x5]  }
0x15: {  	[tilespmem:s8], [sflag:$0x2] =	stream.linear.gather [hbm4b:s0+s8], $0x200, $0x38;
	[tilespmem:$0x11700] =	vst v63  }
0x16: {  	_ =	swait.ge [sflag:s18], $0x200  }
0x17: {  	[sflag:s18] =	ssyncset.done $0x0  }
0x18: {  	[sflag:s18] =	ssyncadd.s32 $0xFFFFFE00  }
0x19: {  	s13 =	simm.s32 $0x200;
	s12 =	rddreg [dreg:$0x6]  }
0x1a: {  	[tilespmem:s13], [sflag:$0x2] =	stream.linear.gather [hbm4b:s12+s8], $0x200, $0x38;
	[tilespmem:$0x11700] =	vst v63  }
0x1b: {  	_ =	swait.ge [sflag:s18], $0x200  }
0x1c: {  	[sflag:s18] =	ssyncset.done $0x0  }
0x1d: {  	s17 =	simm.s32 $0x400;
	s15 =	rddreg [dreg:$0xa];
	[sflag:s18] =	ssyncadd.s32 $0xFFFFFE00  }
0x1e: {  	[tilespmem:s17], [sflag:$0x2] =	stream.linear.gather [hbm4b:s15+s8], $0x80, $0x38;
	[tilespmem:$0x11700] =	vst v63  }
0x1f: {  	_ =	swait.ge [sflag:s18], $0x80  }
0x20: {  	[sflag:s18] =	ssyncset.done $0x0  }
0x21: {  	s19 =	rddreg [dreg:$0xb];
	[sflag:s18] =	ssyncadd.s32 $0xFFFFFF80  }
0x22: {  	[tilespmem:s21], [sflag:$0x2] =	stream.linear.gather [hbm4b:s19+s8], $0x400, $0x38;
	[tilespmem:$0x11700] =	vst v63  }
0x23: {  	_ =	swait.ge [sflag:s18], $0x400  }
0x24: {  	[sflag:s18] =	ssyncset.done $0x0  }
0x25: {  	s22 =	simm.s32 $0x880;
	s20 =	rddreg [dreg:$0xc];
	[sflag:s18] =	ssyncadd.s32 $0xFFFFFC00  }
0x26: {  	[tilespmem:s22], [sflag:$0x2] =	stream.linear.gather [hbm4b:s20+s8], $0x180, $0x38;
	[tilespmem:$0x11700] =	vst v63  }
0x27: {  	_ =	swait.ge [sflag:s18], $0x180  }
0x28: {  	[sflag:s18] =	ssyncset.done $0x0  }
0x29: {  	p1 =	por $0x1, $0x1;
	s6 =	simm.s32 $0x0;
	[sflag:s18] =	ssyncadd.s32 $0xFFFFFE80  }
.LBB2_2:
0x2a: {  	v9 =	vld [tilespmem:$0x880]  }
0x2b: {  	v10 =	vld [tilespmem:$0x890]  }
0x2c: {  	v11 =	vld [tilespmem:$0x8A0]  }
0x2d: {  	v12 =	vld [tilespmem:$0x8B0]  }
0x2e: {  	v13 =	vld [tilespmem:$0x8C0]  }
0x2f: {  	[tilespmem:$0xD100] =	vst v9;
	v9 =	vld [tilespmem:$0x8D0]  }
0x30: {  	[tilespmem:$0xD110] =	vst v10;
	v10 =	vld [tilespmem:$0x8E0]  }
0x31: {  	[tilespmem:$0xD120] =	vst v11;
	v11 =	vld [tilespmem:$0x8F0]  }
0x32: {  	[tilespmem:$0xD130] =	vst v12  }
0x33: {  	s0 =	rddreg [dreg:$0xd];
	[tilespmem:$0xD140] =	vst v13  }
0x34: {  	s22 =	rddreg [dreg:$0x9];
	s10 =	sor.u32 s0, s6;
	[tilespmem:$0xD150] =	vst v9  }
0x35: {  	p0 =	por p1, p1;
	s13 =	simm.s32 $0x0;
	s6 =	sshll.u32 s10, $0xD;
	[tilespmem:$0xD160] =	vst v10  }
0x36: {  	s20 =	smul.u32 $0x50400, s10;
	s12 =	sadd.s32 s22, s6;
	s22 =	simm.s32 $0x0;
	[tilespmem:$0xD170] =	vst v11  }
.LBB2_3:
0x37: {  	s6 =	sshll.u32 s22, $0xB  }
0x38: {  	s9 =	simm.s32 $0x0;
	s6 =	sadd.s32 s6, s12  }
0x39: {  	v9 =	vmov s9;
	[tilespmem:s23], [sflag:$0x2] =	stream.linear.gather [hbm4b:s6+s13], $0x4000, $0x38;
	[tilespmem:$0x11700] =	vst v63  }
0x3a: {  	_ =	swait.ge [sflag:s18], $0x4000  }
0x3b: {  	[sflag:s18] =	ssyncset.done $0x0  }
0x3c: {  	v10 =	vor.u32 $0x1, v9;
	[sflag:s18] =	ssyncadd.s32 $0xFFFFC000  }
0x3d: {  	v12 =	vld [tilespmem:$0x80]  }
0x3e: {  	v11 =	vor.u32 $0x2, v9;
	v13 =	vld.idx.msk [tilespmem:v9+s23+$0x0], $0xffff  }
0x3f: {  	v14 =	vld [tilespmem:$0x0]  }
0x40: {  	v9 =	vor.u32 $0x3, v9;
	v15 =	vld [tilespmem:$0x400]  }
0x41: {  	v10 =	vld.idx.msk [tilespmem:v10+s23+$0x0], $0xffff  }
0x42: {  	v16 =	vld [tilespmem:$0x100]  }
0x43: {  	v11 =	vld.idx.msk [tilespmem:v11+s23+$0x0], $0xffff  }
0x44: {  	v17 =	vld [tilespmem:$0x180];
	v14 =	vmul.f32 v14, v13  }
0x45: {  	v9 =	vld.idx.msk [tilespmem:v9+s23+$0x0], $0xffff  }
0x46: {  	v12 =	vmul.f32 v12, v10;
	v14 =	vadd.f32 v14, v15;
	_ =	sdelay $0x1  }
0x47: {  	v12 =	vadd.f32 v12, v14;
	v14 =	vmul.f32 v16, v11;
	_ =	sdelay $0x1  }
0x48: {  	v12 =	vadd.f32 v14, v12;
	v14 =	vmul.f32 v17, v9;
	_ =	sdelay $0x1  }
0x49: {  	v12 =	vadd.f32 v14, v12  }
0x4a: {  	s17 =	simm.s32 $0xD1F0  }
0x4b: {  	[tilespmem:s17+$0xFFFFFF90] =	vst v12  }
0x4c: {  	v12 =	vld [tilespmem:$0x10]  }
0x4d: {  	v14 =	vld [tilespmem:$0x90]  }
0x4e: {  	v15 =	vld [tilespmem:$0x410];
	_ =	sdelay $0x1  }
0x4f: {  	v51 =	vld [tilespmem:$0x110]  }
0x50: {  	v12 =	vmul.f32 v12, v13  }
0x51: {  	v52 =	vld [tilespmem:$0x190]  }
0x52: {  	v14 =	vmul.f32 v14, v10;
	v12 =	vadd.f32 v12, v15;
	_ =	sdelay $0x1  }
0x53: {  	v12 =	vadd.f32 v14, v12;
	v14 =	vmul.f32 v51, v11;
	_ =	sdelay $0x1  }
0x54: {  	v12 =	vadd.f32 v14, v12;
	v14 =	vmul.f32 v52, v9;
	_ =	sdelay $0x1  }
0x55: {  	v12 =	vadd.f32 v14, v12;
	_ =	sdelay $0x1  }
0x56: {  	[tilespmem:s17+$0xFFFFFFA0] =	vst v12  }
0x57: {  	v12 =	vld [tilespmem:$0x20]  }
0x58: {  	v14 =	vld [tilespmem:$0xA0]  }
0x59: {  	v15 =	vld [tilespmem:$0x420];
	_ =	sdelay $0x1  }
0x5a: {  	v53 =	vld [tilespmem:$0x120]  }
0x5b: {  	v12 =	vmul.f32 v12, v13  }
0x5c: {  	v54 =	vld [tilespmem:$0x1A0]  }
0x5d: {  	v14 =	vmul.f32 v14, v10;
	v12 =	vadd.f32 v12, v15;
	_ =	sdelay $0x1  }
0x5e: {  	v12 =	vadd.f32 v14, v12;
	v14 =	vmul.f32 v53, v11;
	_ =	sdelay $0x1  }
0x5f: {  	v12 =	vadd.f32 v14, v12;
	v14 =	vmul.f32 v54, v9;
	_ =	sdelay $0x1  }
0x60: {  	v12 =	vadd.f32 v14, v12;
	_ =	sdelay $0x1  }
0x61: {  	[tilespmem:s17+$0xFFFFFFB0] =	vst v12  }
0x62: {  	v12 =	vld [tilespmem:$0x30]  }
0x63: {  	v14 =	vld [tilespmem:$0xB0]  }
0x64: {  	v15 =	vld [tilespmem:$0x430];
	_ =	sdelay $0x1  }
0x65: {  	v55 =	vld [tilespmem:$0x130]  }
0x66: {  	v12 =	vmul.f32 v12, v13  }
0x67: {  	v56 =	vld [tilespmem:$0x1B0]  }
0x68: {  	v14 =	vmul.f32 v14, v10;
	v12 =	vadd.f32 v12, v15;
	_ =	sdelay $0x1  }
0x69: {  	v12 =	vadd.f32 v14, v12;
	v14 =	vmul.f32 v55, v11;
	_ =	sdelay $0x1  }
0x6a: {  	v12 =	vadd.f32 v14, v12;
	v14 =	vmul.f32 v56, v9;
	_ =	sdelay $0x1  }
0x6b: {  	v12 =	vadd.f32 v14, v12;
	_ =	sdelay $0x1  }
0x6c: {  	[tilespmem:s17+$0xFFFFFFC0] =	vst v12  }
0x6d: {  	v12 =	vld [tilespmem:$0x40]  }
0x6e: {  	v14 =	vld [tilespmem:$0xC0]  }
0x6f: {  	v15 =	vld [tilespmem:$0x440];
	_ =	sdelay $0x1  }
0x70: {  	v57 =	vld [tilespmem:$0x140]  }
0x71: {  	v12 =	vmul.f32 v12, v13  }
0x72: {  	v58 =	vld [tilespmem:$0x1C0]  }
0x73: {  	v14 =	vmul.f32 v14, v10;
	v12 =	vadd.f32 v12, v15;
	_ =	sdelay $0x1  }
0x74: {  	v12 =	vadd.f32 v14, v12;
	v14 =	vmul.f32 v57, v11;
	_ =	sdelay $0x1  }
0x75: {  	v12 =	vadd.f32 v14, v12;
	v14 =	vmul.f32 v58, v9;
	_ =	sdelay $0x1  }
0x76: {  	v12 =	vadd.f32 v14, v12;
	_ =	sdelay $0x1  }
0x77: {  	[tilespmem:s17+$0xFFFFFFD0] =	vst v12  }
0x78: {  	v12 =	vld [tilespmem:$0x50]  }
0x79: {  	v14 =	vld [tilespmem:$0x450]  }
0x7a: {  	v15 =	vld [tilespmem:$0xD0];
	_ =	sdelay $0x1  }
0x7b: {  	v59 =	vld [tilespmem:$0x150]  }
0x7c: {  	v12 =	vmul.f32 v12, v13  }
0x7d: {  	v60 =	vld [tilespmem:$0x1D0]  }
0x7e: {  	v12 =	vadd.f32 v12, v14;
	v14 =	vmul.f32 v15, v10;
	_ =	sdelay $0x1  }
0x7f: {  	v15 =	vmul.f32 v59, v11;
	v12 =	vadd.f32 v14, v12;
	_ =	sdelay $0x1  }
0x80: {  	v14 =	vmul.f32 v60, v9;
	v12 =	vadd.f32 v15, v12;
	_ =	sdelay $0x1  }
0x81: {  	v12 =	vadd.f32 v14, v12;
	_ =	sdelay $0x1  }
0x82: {  	[tilespmem:s17+$0xFFFFFFE0] =	vst v12  }
0x83: {  	v12 =	vld [tilespmem:$0x60]  }
0x84: {  	v14 =	vld [tilespmem:$0x460]  }
0x85: {  	v15 =	vld [tilespmem:$0xE0];
	_ =	sdelay $0x1  }
0x86: {  	v61 =	vld [tilespmem:$0x160]  }
0x87: {  	v12 =	vmul.f32 v12, v13  }
0x88: {  	v62 =	vld [tilespmem:$0x1E0]  }
0x89: {  	v12 =	vadd.f32 v12, v14;
	v14 =	vmul.f32 v15, v10;
	_ =	sdelay $0x1  }
0x8a: {  	v15 =	vmul.f32 v61, v11;
	v12 =	vadd.f32 v14, v12;
	_ =	sdelay $0x1  }
0x8b: {  	v14 =	vmul.f32 v62, v9;
	v12 =	vadd.f32 v15, v12;
	_ =	sdelay $0x1  }
0x8c: {  	v12 =	vadd.f32 v14, v12;
	_ =	sdelay $0x1  }
0x8d: {  	[tilespmem:s17+$0xFFFFFFF0] =	vst v12  }
0x8e: {  	v12 =	vld [tilespmem:$0x70]  }
0x8f: {  	v14 =	vld [tilespmem:$0x470]  }
0x90: {  	v15 =	vld [tilespmem:$0xF0];
	_ =	sdelay $0x1  }
0x91: {  	v63 =	vld [tilespmem:$0x170]  }
0x92: {  	v12 =	vmul.f32 v12, v13  }
0x93: {  	v13 =	vld [tilespmem:$0x1F0]  }
0x94: {  	v10 =	vmul.f32 v15, v10;
	v12 =	vadd.f32 v12, v14;
	_ =	sdelay $0x1  }
0x95: {  	v11 =	vmul.f32 v63, v11;
	v10 =	vadd.f32 v10, v12  }
0x96: {  	s19 =	simm.s32 $0x80  }
0x97: {  	v12 =	vmul.f32 v13, v9;
	v9 =	vmov s19;
	v13 =	vadd.f32 v11, v10  }
0x98: {  	v10 =	vor.u32 $0x1, v9  }
0x99: {  	s6 =	simm.s32 $0x2;
	v11 =	vor.u32 $0x2, v9;
	v13 =	vadd.f32 v12, v13;
	v12 =	vor.u32 $0x3, v9  }
.LBB2_4:
0x9a: {  	p1 =	sne.s32 s6, $0x7F  }
0x9b: {  	[tilespmem:s17+$0x0] =	vst v13;
	s17 =	sadd.s32 $0x80, s17;
	s9 =	smov.u32 s6;
	s6 =	sadd.s32 $0x1, s6  }
0x9c: {  	v13 =	vld [tilespmem:$0x80]  }
0x9d: {  	v9 =	vld.idx.msk [tilespmem:v9+s23+$0x0], $0xffff  }
0x9e: {  	v14 =	vld [tilespmem:$0x0]  }
0x9f: {  	v10 =	vld.idx.msk [tilespmem:v10+s23+$0x0], $0xffff  }
0xa0: {  	v15 =	vld [tilespmem:$0x400]  }
0xa1: {  	v11 =	vld.idx.msk [tilespmem:v11+s23+$0x0], $0xffff  }
0xa2: {  	v16 =	vld [tilespmem:$0x100]  }
0xa3: {  	v12 =	vld.idx.msk [tilespmem:v12+s23+$0x0], $0xffff;
	v14 =	vmul.f32 v14, v9  }
0xa4: {  	v17 =	vld [tilespmem:$0x180]  }
0xa5: {  	v13 =	vmul.f32 v13, v10;
	v14 =	vadd.f32 v14, v15;
	_ =	sdelay $0x1  }
0xa6: {  	v13 =	vadd.f32 v13, v14;
	v14 =	vmul.f32 v16, v11;
	_ =	sdelay $0x1  }
0xa7: {  	v13 =	vadd.f32 v14, v13;
	v14 =	vmul.f32 v17, v12;
	_ =	sdelay $0x1  }
0xa8: {  	v13 =	vadd.f32 v14, v13;
	_ =	sdelay $0x1  }
0xa9: {  	[tilespmem:s17+$0xFFFFFF90] =	vst v13  }
0xaa: {  	v13 =	vld [tilespmem:$0x10]  }
0xab: {  	v14 =	vld [tilespmem:$0x90]  }
0xac: {  	v15 =	vld [tilespmem:$0x410];
	_ =	sdelay $0x1  }
0xad: {  	v16 =	vld [tilespmem:$0x110]  }
0xae: {  	v13 =	vmul.f32 v13, v9  }
0xaf: {  	v14 =	vmul.f32 v14, v10;
	v17 =	vld [tilespmem:$0x190]  }
0xb0: {  	v13 =	vadd.f32 v13, v15;
	_ =	sdelay $0x1  }
0xb1: {  	v13 =	vadd.f32 v14, v13;
	v14 =	vmul.f32 v16, v11;
	_ =	sdelay $0x1  }
0xb2: {  	v13 =	vadd.f32 v14, v13;
	v14 =	vmul.f32 v17, v12;
	_ =	sdelay $0x1  }
0xb3: {  	v13 =	vadd.f32 v14, v13;
	_ =	sdelay $0x1  }
0xb4: {  	[tilespmem:s17+$0xFFFFFFA0] =	vst v13  }
0xb5: {  	v13 =	vld [tilespmem:$0x20]  }
0xb6: {  	v14 =	vld [tilespmem:$0xA0]  }
0xb7: {  	v15 =	vld [tilespmem:$0x420];
	_ =	sdelay $0x1  }
0xb8: {  	v16 =	vld [tilespmem:$0x120]  }
0xb9: {  	v13 =	vmul.f32 v13, v9  }
0xba: {  	v14 =	vmul.f32 v14, v10;
	v17 =	vld [tilespmem:$0x1A0]  }
0xbb: {  	v13 =	vadd.f32 v13, v15;
	_ =	sdelay $0x1  }
0xbc: {  	v13 =	vadd.f32 v14, v13;
	v14 =	vmul.f32 v16, v11;
	_ =	sdelay $0x1  }
0xbd: {  	v13 =	vadd.f32 v14, v13;
	v14 =	vmul.f32 v17, v12;
	_ =	sdelay $0x1  }
0xbe: {  	v13 =	vadd.f32 v14, v13;
	_ =	sdelay $0x1  }
0xbf: {  	[tilespmem:s17+$0xFFFFFFB0] =	vst v13  }
0xc0: {  	v13 =	vld [tilespmem:$0x30]  }
0xc1: {  	v14 =	vld [tilespmem:$0xB0]  }
0xc2: {  	v15 =	vld [tilespmem:$0x430];
	_ =	sdelay $0x1  }
0xc3: {  	v16 =	vld [tilespmem:$0x130]  }
0xc4: {  	v13 =	vmul.f32 v13, v9  }
0xc5: {  	v14 =	vmul.f32 v14, v10;
	v17 =	vld [tilespmem:$0x1B0]  }
0xc6: {  	v13 =	vadd.f32 v13, v15;
	_ =	sdelay $0x1  }
0xc7: {  	v13 =	vadd.f32 v14, v13;
	v14 =	vmul.f32 v16, v11;
	_ =	sdelay $0x1  }
0xc8: {  	v13 =	vadd.f32 v14, v13;
	v14 =	vmul.f32 v17, v12;
	_ =	sdelay $0x1  }
0xc9: {  	v13 =	vadd.f32 v14, v13;
	_ =	sdelay $0x1  }
0xca: {  	[tilespmem:s17+$0xFFFFFFC0] =	vst v13  }
0xcb: {  	v13 =	vld [tilespmem:$0x40]  }
0xcc: {  	v14 =	vld [tilespmem:$0xC0]  }
0xcd: {  	v15 =	vld [tilespmem:$0x440];
	_ =	sdelay $0x1  }
0xce: {  	v16 =	vld [tilespmem:$0x140]  }
0xcf: {  	v13 =	vmul.f32 v13, v9  }
0xd0: {  	v14 =	vmul.f32 v14, v10;
	v17 =	vld [tilespmem:$0x1C0]  }
0xd1: {  	v13 =	vadd.f32 v13, v15;
	_ =	sdelay $0x1  }
0xd2: {  	v13 =	vadd.f32 v14, v13;
	v14 =	vmul.f32 v16, v11;
	_ =	sdelay $0x1  }
0xd3: {  	v13 =	vadd.f32 v14, v13;
	v14 =	vmul.f32 v17, v12;
	_ =	sdelay $0x1  }
0xd4: {  	v13 =	vadd.f32 v14, v13;
	_ =	sdelay $0x1  }
0xd5: {  	[tilespmem:s17+$0xFFFFFFD0] =	vst v13  }
0xd6: {  	v13 =	vld [tilespmem:$0x50]  }
0xd7: {  	v14 =	vld [tilespmem:$0x450]  }
0xd8: {  	v15 =	vld [tilespmem:$0xD0]  }
0xd9: {  	v16 =	vld [tilespmem:$0x150]  }
0xda: {  	v17 =	vld [tilespmem:$0x1D0]  }
0xdb: {  	v13 =	vmul.f32 v13, v9;
	_ =	sdelay $0x1  }
0xdc: {  	v13 =	vadd.f32 v13, v14;
	v14 =	vmul.f32 v15, v10  }
0xdd: {  	v15 =	vmul.f32 v16, v11  }
0xde: {  	v13 =	vadd.f32 v14, v13;
	v14 =	vmul.f32 v17, v12;
	_ =	sdelay $0x1  }
0xdf: {  	v13 =	vadd.f32 v15, v13;
	_ =	sdelay $0x1  }
0xe0: {  	v13 =	vadd.f32 v14, v13;
	_ =	sdelay $0x1  }
0xe1: {  	[tilespmem:s17+$0xFFFFFFE0] =	vst v13  }
0xe2: {  	v13 =	vld [tilespmem:$0x60]  }
0xe3: {  	v14 =	vld [tilespmem:$0x460]  }
0xe4: {  	v15 =	vld [tilespmem:$0xE0]  }
0xe5: {  	v16 =	vld [tilespmem:$0x160]  }
0xe6: {  	v17 =	vld [tilespmem:$0x1E0]  }
0xe7: {  	v13 =	vmul.f32 v13, v9;
	_ =	sdelay $0x1  }
0xe8: {  	v13 =	vadd.f32 v13, v14;
	v14 =	vmul.f32 v15, v10  }
0xe9: {  	v15 =	vmul.f32 v16, v11  }
0xea: {  	v13 =	vadd.f32 v14, v13;
	v14 =	vmul.f32 v17, v12;
	_ =	sdelay $0x1  }
0xeb: {  	v13 =	vadd.f32 v15, v13;
	_ =	sdelay $0x1  }
0xec: {  	v13 =	vadd.f32 v14, v13;
	_ =	sdelay $0x1  }
0xed: {  	[tilespmem:s17+$0xFFFFFFF0] =	vst v13  }
0xee: {  	v13 =	vld [tilespmem:$0x70]  }
0xef: {  	v14 =	vld [tilespmem:$0x470]  }
0xf0: {  	v15 =	vld [tilespmem:$0xF0]  }
0xf1: {  	v16 =	vld [tilespmem:$0x170]  }
0xf2: {  	v17 =	vld [tilespmem:$0x1F0]  }
0xf3: {  	v9 =	vmul.f32 v13, v9;
	_ =	sdelay $0x1  }
0xf4: {  	v9 =	vadd.f32 v9, v14;
	v10 =	vmul.f32 v15, v10  }
0xf5: {  	v11 =	vmul.f32 v16, v11  }
0xf6: {  	v9 =	vadd.f32 v10, v9;
	v12 =	vmul.f32 v17, v12  }
.Ltmp0:
0xf7: {  	(pc) =	sbr.rel @p1 .LBB2_4-.Ltmp0, $4  }
0xf8: {  	s9 =	sshll.u32 s9, $0x7;
	v13 =	vadd.f32 v11, v9  }
0xf9: {  	v9 =	vmov s9  }
0xfa: {  	v10 =	vor.u32 $0x1, v9;
	v11 =	vor.u32 $0x2, v9;
	v13 =	vadd.f32 v12, v13  }
0xfb: {  	v12 =	vor.u32 $0x3, v9  }
0xfc: {  	_ =	sdelay $0x1  }
0xfd: {  	[tilespmem:s17+$0x0] =	vst v13  }
0xfe: {  	v13 =	vld [tilespmem:$0x80]  }
0xff: {  	v9 =	vld.idx.msk [tilespmem:v9+s23+$0x0], $0xffff  }
0x100: {  	v14 =	vld [tilespmem:$0x0]  }
0x101: {  	v10 =	vld.idx.msk [tilespmem:v10+s23+$0x0], $0xffff  }
0x102: {  	v15 =	vld [tilespmem:$0x400]  }
0x103: {  	v11 =	vld.idx.msk [tilespmem:v11+s23+$0x0], $0xffff  }
0x104: {  	v16 =	vld [tilespmem:$0x100]  }
0x105: {  	v12 =	vld.idx.msk [tilespmem:v12+s23+$0x0], $0xffff;
	v14 =	vmul.f32 v14, v9  }
0x106: {  	v17 =	vld [tilespmem:$0x180]  }
0x107: {  	v13 =	vmul.f32 v13, v10;
	v14 =	vadd.f32 v14, v15;
	_ =	sdelay $0x1  }
0x108: {  	v61 =	vmul.f32 v16, v11;
	v13 =	vadd.f32 v13, v14;
	_ =	sdelay $0x1  }
0x109: {  	v62 =	vmul.f32 v17, v12;
	v13 =	vadd.f32 v61, v13;
	_ =	sdelay $0x1  }
0x10a: {  	v13 =	vadd.f32 v62, v13  }
0x10b: {  	s6 =	sadd.s32 $0x80, s17  }
0x10c: {  	[tilespmem:s6+$0xFFFFFF90] =	vst v13  }
0x10d: {  	v13 =	vld [tilespmem:$0x10]  }
0x10e: {  	v63 =	vld [tilespmem:$0x90]  }
0x10f: {  	v20 =	vld [tilespmem:$0x410];
	_ =	sdelay $0x1  }
0x110: {  	v21 =	vld [tilespmem:$0x110]  }
0x111: {  	v13 =	vmul.f32 v13, v9  }
0x112: {  	v22 =	vld [tilespmem:$0x190]  }
0x113: {  	v14 =	vmul.f32 v63, v10;
	v13 =	vadd.f32 v13, v20;
	_ =	sdelay $0x1  }
0x114: {  	v23 =	vmul.f32 v21, v11;
	v13 =	vadd.f32 v14, v13;
	_ =	sdelay $0x1  }
0x115: {  	v24 =	vmul.f32 v22, v12;
	v13 =	vadd.f32 v23, v13;
	_ =	sdelay $0x1  }
0x116: {  	v13 =	vadd.f32 v24, v13;
	_ =	sdelay $0x1  }
0x117: {  	[tilespmem:s6+$0xFFFFFFA0] =	vst v13  }
0x118: {  	v13 =	vld [tilespmem:$0x20]  }
0x119: {  	v25 =	vld [tilespmem:$0xA0]  }
0x11a: {  	v26 =	vld [tilespmem:$0x420];
	_ =	sdelay $0x1  }
0x11b: {  	v27 =	vld [tilespmem:$0x120]  }
0x11c: {  	v13 =	vmul.f32 v13, v9  }
0x11d: {  	v28 =	vld [tilespmem:$0x1A0]  }
0x11e: {  	v14 =	vmul.f32 v25, v10;
	v13 =	vadd.f32 v13, v26;
	_ =	sdelay $0x1  }
0x11f: {  	v29 =	vmul.f32 v27, v11;
	v13 =	vadd.f32 v14, v13;
	_ =	sdelay $0x1  }
0x120: {  	v30 =	vmul.f32 v28, v12;
	v13 =	vadd.f32 v29, v13;
	_ =	sdelay $0x1  }
0x121: {  	v13 =	vadd.f32 v30, v13;
	_ =	sdelay $0x1  }
0x122: {  	[tilespmem:s6+$0xFFFFFFB0] =	vst v13  }
0x123: {  	v13 =	vld [tilespmem:$0x30]  }
0x124: {  	v31 =	vld [tilespmem:$0xB0]  }
0x125: {  	v32 =	vld [tilespmem:$0x430];
	_ =	sdelay $0x1  }
0x126: {  	v33 =	vld [tilespmem:$0x130]  }
0x127: {  	v13 =	vmul.f32 v13, v9  }
0x128: {  	v34 =	vld [tilespmem:$0x1B0]  }
0x129: {  	v14 =	vmul.f32 v31, v10;
	v13 =	vadd.f32 v13, v32;
	_ =	sdelay $0x1  }
0x12a: {  	v35 =	vmul.f32 v33, v11;
	v13 =	vadd.f32 v14, v13;
	_ =	sdelay $0x1  }
0x12b: {  	v36 =	vmul.f32 v34, v12;
	v13 =	vadd.f32 v35, v13;
	_ =	sdelay $0x1  }
0x12c: {  	v13 =	vadd.f32 v36, v13;
	_ =	sdelay $0x1  }
0x12d: {  	[tilespmem:s6+$0xFFFFFFC0] =	vst v13  }
0x12e: {  	v13 =	vld [tilespmem:$0x40]  }
0x12f: {  	v37 =	vld [tilespmem:$0xC0]  }
0x130: {  	v38 =	vld [tilespmem:$0x440];
	_ =	sdelay $0x1  }
0x131: {  	v39 =	vld [tilespmem:$0x140]  }
0x132: {  	v13 =	vmul.f32 v13, v9  }
0x133: {  	v40 =	vld [tilespmem:$0x1C0]  }
0x134: {  	v14 =	vmul.f32 v37, v10;
	v13 =	vadd.f32 v13, v38;
	_ =	sdelay $0x1  }
0x135: {  	v41 =	vmul.f32 v39, v11;
	v13 =	vadd.f32 v14, v13;
	_ =	sdelay $0x1  }
0x136: {  	v42 =	vmul.f32 v40, v12;
	v13 =	vadd.f32 v41, v13;
	_ =	sdelay $0x1  }
0x137: {  	v13 =	vadd.f32 v42, v13;
	_ =	sdelay $0x1  }
0x138: {  	[tilespmem:s6+$0xFFFFFFD0] =	vst v13  }
0x139: {  	v13 =	vld [tilespmem:$0x50]  }
0x13a: {  	v43 =	vld [tilespmem:$0x450]  }
0x13b: {  	v44 =	vld [tilespmem:$0xD0];
	_ =	sdelay $0x1  }
0x13c: {  	v45 =	vld [tilespmem:$0x150]  }
0x13d: {  	v13 =	vmul.f32 v13, v9  }
0x13e: {  	v46 =	vld [tilespmem:$0x1D0]  }
0x13f: {  	v47 =	vmul.f32 v44, v10;
	v13 =	vadd.f32 v13, v43;
	_ =	sdelay $0x1  }
0x140: {  	v48 =	vmul.f32 v45, v11;
	v13 =	vadd.f32 v47, v13;
	_ =	sdelay $0x1  }
0x141: {  	v49 =	vmul.f32 v46, v12;
	v13 =	vadd.f32 v48, v13;
	_ =	sdelay $0x1  }
0x142: {  	v13 =	vadd.f32 v49, v13;
	_ =	sdelay $0x1  }
0x143: {  	[tilespmem:s6+$0xFFFFFFE0] =	vst v13  }
0x144: {  	v13 =	vld [tilespmem:$0x60]  }
0x145: {  	v50 =	vld [tilespmem:$0x460]  }
0x146: {  	v51 =	vld [tilespmem:$0xE0];
	_ =	sdelay $0x1  }
0x147: {  	v52 =	vld [tilespmem:$0x160]  }
0x148: {  	v13 =	vmul.f32 v13, v9  }
0x149: {  	v53 =	vld [tilespmem:$0x1E0]  }
0x14a: {  	v54 =	vmul.f32 v51, v10;
	v13 =	vadd.f32 v13, v50;
	_ =	sdelay $0x1  }
0x14b: {  	v55 =	vmul.f32 v52, v11;
	v13 =	vadd.f32 v54, v13;
	_ =	sdelay $0x1  }
0x14c: {  	v56 =	vmul.f32 v53, v12;
	v13 =	vadd.f32 v55, v13;
	_ =	sdelay $0x1  }
0x14d: {  	v13 =	vadd.f32 v56, v13;
	_ =	sdelay $0x1  }
0x14e: {  	[tilespmem:s6+$0xFFFFFFF0] =	vst v13  }
0x14f: {  	v13 =	vld [tilespmem:$0x70]  }
0x150: {  	v57 =	vld [tilespmem:$0x470]  }
0x151: {  	v58 =	vld [tilespmem:$0xF0];
	_ =	sdelay $0x1  }
0x152: {  	v59 =	vld [tilespmem:$0x170]  }
0x153: {  	v9 =	vmul.f32 v13, v9  }
0x154: {  	v60 =	vld [tilespmem:$0x1F0]  }
0x155: {  	v10 =	vmul.f32 v58, v10;
	v9 =	vadd.f32 v9, v57;
	_ =	sdelay $0x1  }
0x156: {  	v11 =	vmul.f32 v59, v11;
	v9 =	vadd.f32 v10, v9;
	_ =	sdelay $0x1  }
0x157: {  	v10 =	vmul.f32 v60, v12;
	v9 =	vadd.f32 v11, v9  }
0x158: {  	s9 =	sshll.u32 s22, $0xE  }
0x159: {  	s9 =	sadd.s32 s20, s9;
	v9 =	vadd.f32 v10, v9  }
0x15a: {  	s9 =	sshrl.u32 s9, $0x3  }
0x15b: {  	s19 =	sadd.s32 s14, s9;
	[tilespmem:s6+$0x0] =	vst v9  }
0x15c: {  	[hbm4b:s19+s8] =	stream.linear.scatter [tilespmem:s24], [sflag:$0x2], $0x4000, $0x38;
	[tilespmem:$0x11700] =	vst v63  }
0x15d: {  	_ =	swait.ge [sflag:s18], $0x4000  }
0x15e: {  	[sflag:s18] =	ssyncset.done $0x0  }
0x15f: {  	[sflag:s18] =	ssyncadd.s32 $0xFFFFC000  }
0x160: {  	v9 =	vld [tilespmem:$0x11100]  }
0x161: {  	v10 =	vld [tilespmem:$0x11110]  }
0x162: {  	v11 =	vld [tilespmem:$0x11120]  }
0x163: {  	v61 =	vld [tilespmem:$0x11130]  }
0x164: {  	v62 =	vld [tilespmem:$0x11140]  }
0x165: {  	v63 =	vld [tilespmem:$0x11150];
	[tilespmem:$0xD100] =	vst v9  }
0x166: {  	s22 =	sadd.s32 $0x1, s22;
	[tilespmem:$0xD110] =	vst v10;
	v10 =	vld [tilespmem:$0x11160]  }
0x167: {  	p1 =	sne.s32 s22, $0x4;
	[tilespmem:$0xD120] =	vst v11;
	v11 =	vld [tilespmem:$0x11170]  }
.Ltmp1:
0x168: {  	[tilespmem:$0xD130] =	vst v61;
	(pc) =	sbr.rel @p1 .LBB2_3-.Ltmp1, $4  }
0x169: {  	[tilespmem:$0xD140] =	vst v62  }
0x16a: {  	[tilespmem:$0xD150] =	vst v63  }
0x16b: {  	[tilespmem:$0xD160] =	vst v10  }
0x16c: {  	[tilespmem:$0xD170] =	vst v11  }
0x16d: {  	v10 =	vld [tilespmem:$0xD110]  }
0x16e: {  	v11 =	vld [tilespmem:$0xD120]  }
0x16f: {  	v12 =	vld [tilespmem:$0xD130]  }
0x170: {  	v13 =	vld [tilespmem:$0xD140]  }
0x171: {  	[tilespmem:$0x8D00] =	vst v9;
	v9 =	vld [tilespmem:$0xD150]  }
0x172: {  	[tilespmem:$0x8D10] =	vst v10;
	v10 =	vld [tilespmem:$0xD160]  }
0x173: {  	[tilespmem:$0x8D20] =	vst v11;
	v11 =	vld [tilespmem:$0xD170]  }
0x174: {  	[tilespmem:$0x8D30] =	vst v12  }
0x175: {  	[tilespmem:$0x8D40] =	vst v13  }
0x176: {  	[tilespmem:$0x8D50] =	vst v9  }
0x177: {  	s22 =	sshll.u32 s10, $0xB;
	[tilespmem:$0x8D60] =	vst v10  }
0x178: {  	s10 =	sadd.s32 $0x10000, s20;
	s12 =	simm.s32 $0x0;
	s13 =	simm.s32 $0x0;
	[tilespmem:$0x8D70] =	vst v11  }
.LBB2_7:
0x179: {  	s6 =	sshll.u32 s13, $0x7  }
0x17a: {  	s6 =	sadd.s32 s22, s6  }
0x17b: {  	s9 =	sshrl.u32 s6, $0x3  }
0x17c: {  	s15 =	sadd.s32 s4, s9  }
0x17d: {  	[tilespmem:s25], [sflag:$0x2] =	stream.linear.gather [hbm4b:s15+s12], $0x80, $0x38;
	[tilespmem:$0x11700] =	vst v63  }
0x17e: {  	_ =	swait.ge [sflag:s18], $0x80  }
0x17f: {  	[sflag:s18] =	ssyncset.done $0x0  }
0x180: {  	s9 =	sadd.s32 s3, s9;
	[sflag:s18] =	ssyncadd.s32 $0xFFFFFF80  }
0x181: {  	[tilespmem:s26], [sflag:$0x2] =	stream.linear.gather [hbm4b:s9+s12], $0x80, $0x38;
	[tilespmem:$0x11700] =	vst v63  }
0x182: {  	_ =	swait.ge [sflag:s18], $0x80  }
0x183: {  	s17 =	sshrl.u32 s6, $0x2;
	[sflag:s18] =	ssyncset.done $0x0  }
0x184: {  	s19 =	sadd.s32 s2, s17;
	[sflag:s18] =	ssyncadd.s32 $0xFFFFFF80  }
0x185: {  	[tilespmem:s28], [sflag:$0x2] =	stream.linear.gather [hbm4b:s19+s12], $0x80, $0x38;
	[tilespmem:$0x11700] =	vst v63  }
0x186: {  	_ =	swait.ge [sflag:s18], $0x80  }
0x187: {  	[sflag:s18] =	ssyncset.done $0x0  }
0x188: {  	s9 =	sadd.s32 s17, s16;
	[sflag:s18] =	ssyncadd.s32 $0xFFFFFF80  }
0x189: {  	[tilespmem:s29], [sflag:$0x2] =	stream.linear.gather [hbm4b:s9+s12], $0x80, $0x38;
	[tilespmem:$0x11700] =	vst v63  }
0x18a: {  	_ =	swait.ge [sflag:s18], $0x80  }
0x18b: {  	[sflag:s18] =	ssyncset.done $0x0  }
0x18c: {  	[sflag:s18] =	ssyncadd.s32 $0xFFFFFF80  }
0x18d: {  	s6 =	sshll.u32 s6, $0x4;
	s0 =	rddreg [dreg:$0x1]  }
0x18e: {  	s6 =	sadd.s32 s0, s6  }
0x18f: {  	[tilespmem:s23], [sflag:$0x2] =	stream.linear.gather [hbm4b:s6+s12], $0x4000, $0x38;
	[tilespmem:$0x11700] =	vst v63  }
0x190: {  	_ =	swait.ge [sflag:s18], $0x4000  }
0x191: {  	[sflag:s18] =	ssyncset.done $0x0  }
0x192: {  	[sflag:s18] =	ssyncadd.s32 $0xFFFFC000  }
0x193: {  	[tilespmem:s31], [sflag:$0x1] =	stream.indirect.gather [hbm4b:s7+s30], $0x80, s25, s30, $0xb8;
	[tilespmem:$0x11700] =	vst v63  }
0x194: {  	_ =	swait.ge [sflag:s1], $0x4000  }
0x195: {  	[sflag:s1] =	ssyncset.done $0x0  }
0x196: {  	[sflag:s1] =	ssyncadd.s32 $0xFFFFC000  }
0x197: {  	v9 =	vld [tilespmem:$0x4B00]  }
0x198: {  	v10 =	vld [tilespmem:$0x4B80]  }
0x199: {  	v11 =	vld [tilespmem:$0x4C00]  }
0x19a: {  	v12 =	vld [tilespmem:$0x4B10]  }
0x19b: {  	v13 =	vld [tilespmem:$0x4B90]  }
0x19c: {  	v14 =	vld [tilespmem:$0x4C10]  }
0x19d: {  	v15 =	vld [tilespmem:$0x4B20]  }
0x19e: {  	v16 =	vld [tilespmem:$0x4BA0]  }
0x19f: {  	v17 =	vld [tilespmem:$0x4C20]  }
0x1a0: {  	v18 =	vld [tilespmem:$0x4B30]  }
0x1a1: {  	v19 =	vld [tilespmem:$0x4BB0]  }
0x1a2: {  	v20 =	vld [tilespmem:$0x4C30]  }
0x1a3: {  	v22 =	vld [tilespmem:$0x4BC0]  }
0x1a4: {  	v23 =	vld [tilespmem:$0x4C40]  }
0x1a5: {  	v25 =	vld [tilespmem:$0x4BD0]  }
0x1a6: {  	v26 =	vld [tilespmem:$0x4C50]  }
0x1a7: {  	v21 =	vld [tilespmem:$0x4B40]  }
0x1a8: {  	v24 =	vld [tilespmem:$0x4B50]  }
0x1a9: {  	v27 =	vld [tilespmem:$0x4C60];
	vm0 =	veq.s32 v10, v11;
	vm1 =	veq.s32 v13, v14  }
0x1aa: {  	v29 =	vld [tilespmem:$0x4BF0];
	vm10 =	veq.s32 v16, v17;
	vm11 =	veq.s32 v19, v20;
	vm12 =	veq.s32 v22, v23  }
0x1ab: {  	v10 =	vld [tilespmem:$0x4B60];
	v9 =	vshll.u32 v9, $0x1;
	vm13 =	veq.s32 v25, v26;
	v11 =	vsel vm0, $0x1, v1  }
0x1ac: {  	v14 =	vld [tilespmem:$0x4BE0];
	v13 =	vsel vm1, $0x1, v1;
	v16 =	vsel vm10, $0x1, v1;
	v19 =	vsel vm11, $0x1, v1  }
0x1ad: {  	v28 =	vsel vm12, $0x1, v1;
	v9 =	vor.u32 v11, v9;
	v11 =	vshll.u32 v12, $0x1;
	v12 =	vld [tilespmem:$0x4C70]  }
0x1ae: {  	[tilespmem:$0x4C80] =	vst v9;
	v9 =	vor.u32 v13, v11;
	v11 =	vshll.u32 v15, $0x1;
	v13 =	vshll.u32 v18, $0x1;
	v15 =	vld [tilespmem:$0x4B70]  }
0x1af: {  	[tilespmem:$0x4C90] =	vst v9;
	v9 =	vor.u32 v16, v11;
	v11 =	vor.u32 v19, v13;
	v13 =	vshll.u32 v21, $0x1  }
0x1b0: {  	v30 =	vsel vm13, $0x1, v1;
	[tilespmem:$0x4CA0] =	vst v9;
	v9 =	vor.u32 v28, v13;
	v13 =	vshll.u32 v24, $0x1  }
0x1b1: {  	[tilespmem:$0x4CB0] =	vst v11;
	vm14 =	veq.s32 v14, v27;
	v11 =	vor.u32 v30, v13;
	v13 =	vmov s12  }
0x1b2: {  	[tilespmem:$0x4CC0] =	vst v9;
	v9 =	vshll.u32 v10, $0x1;
	v10 =	vsel vm14, $0x1, v1;
	vm15 =	veq.s32 v29, v12  }
0x1b3: {  	[tilespmem:$0x4CD0] =	vst v11;
	v9 =	vor.u32 v10, v9;
	v10 =	vshll.u32 v15, $0x1;
	v11 =	vsel vm15, $0x1, v1  }
0x1b4: {  	[tilespmem:$0x4CE0] =	vst v9;
	v9 =	vor.u32 v11, v10  }
0x1b5: {  	[tilespmem:$0x4CF0] =	vst v9  }
0x1b6: {  	v9 =	vld.idx.msk [tilespmem:v13+s11+$0x0], $0xffff;
	_ =	sdelay $0x4  }
0x1b7: {  	v10 =	vshll.u32 v13, $0x7;
	v13 =	vshll.u32 v9, $0x7  }
0x1b8: {  	v11 =	vor.u32 v0, v13;
	_ =	sdelay $0x1  }
0x1b9: {  	s17 =	simm.s32 $0x4D40;
	v14 =	vld [tilespmem:$0x200];
	v12 =	vor.u32 $0x1, v10  }
0x1ba: {  	v15 =	vor.u32 $0x2, v10;
	v33 =	vld [tilespmem:s17+$0xFFFFFFC0]  }
0x1bb: {  	v9 =	vld.idx.msk [tilespmem:v10+s23+$0x0], $0xffff  }
0x1bc: {  	v31 =	vld.idx.msk [tilespmem:v11+s21+$0x0], $0xffff  }
0x1bd: {  	v34 =	vld [tilespmem:$0x280];
	v32 =	vor.u32 $0x3, v10  }
0x1be: {  	v10 =	vld.idx.msk [tilespmem:v12+s23+$0x0], $0xffff  }
0x1bf: {  	v11 =	vld.idx.msk [tilespmem:v15+s23+$0x0], $0xffff  }
0x1c0: {  	v15 =	vld [tilespmem:$0x300]  }
0x1c1: {  	v35 =	vld [tilespmem:$0x380];
	v14 =	vmul.f32 v14, v9;
	v16 =	vadd.f32 v33, v31  }
0x1c2: {  	v12 =	vld.idx.msk [tilespmem:v32+s23+$0x0], $0xffff  }
0x1c3: {  	v36 =	vmul.f32 v34, v10;
	v14 =	vadd.f32 v14, v16;
	_ =	sdelay $0x1  }
0x1c4: {  	v15 =	vmul.f32 v15, v11;
	v14 =	vadd.f32 v36, v14;
	_ =	sdelay $0x1  }
0x1c5: {  	v14 =	vadd.f32 v15, v14;
	v15 =	vmul.f32 v35, v12  }
0x1c6: {  	v37 =	vor.u32 v2, v13  }
0x1c7: {  	v14 =	vadd.f32 v15, v14  }
0x1c8: {  	s19 =	simm.s32 $0x8DF0  }
0x1c9: {  	[tilespmem:s19+$0xFFFFFF90] =	vst v14  }
0x1ca: {  	v14 =	vld [tilespmem:$0x210]  }
0x1cb: {  	v15 =	vld.idx.msk [tilespmem:v37+s21+$0x0], $0xffff  }
0x1cc: {  	v38 =	vld [tilespmem:s17+$0xFFFFFFD0];
	_ =	sdelay $0x1  }
0x1cd: {  	v39 =	vld [tilespmem:$0x290];
	_ =	sdelay $0x1  }
0x1ce: {  	v40 =	vld [tilespmem:$0x310]  }
0x1cf: {  	v15 =	vadd.f32 v38, v15;
	v14 =	vmul.f32 v14, v9  }
0x1d0: {  	v41 =	vld [tilespmem:$0x390]  }
0x1d1: {  	v14 =	vadd.f32 v14, v15;
	v15 =	vmul.f32 v39, v10;
	_ =	sdelay $0x1  }
0x1d2: {  	v42 =	vmul.f32 v40, v11;
	v14 =	vadd.f32 v15, v14;
	_ =	sdelay $0x1  }
0x1d3: {  	v43 =	vor.u32 v3, v13;
	v15 =	vmul.f32 v41, v12;
	v14 =	vadd.f32 v42, v14;
	_ =	sdelay $0x1  }
0x1d4: {  	v14 =	vadd.f32 v15, v14;
	_ =	sdelay $0x1  }
0x1d5: {  	[tilespmem:s19+$0xFFFFFFA0] =	vst v14  }
0x1d6: {  	v14 =	vld.idx.msk [tilespmem:v43+s21+$0x0], $0xffff  }
0x1d7: {  	v15 =	vld [tilespmem:s17+$0xFFFFFFE0]  }
0x1d8: {  	v44 =	vld [tilespmem:$0x220];
	_ =	sdelay $0x1  }
0x1d9: {  	v45 =	vld [tilespmem:$0x2A0];
	_ =	sdelay $0x1  }
0x1da: {  	v46 =	vld [tilespmem:$0x320]  }
0x1db: {  	v14 =	vadd.f32 v15, v14;
	v15 =	vmul.f32 v44, v9  }
0x1dc: {  	v47 =	vld [tilespmem:$0x3A0]  }
0x1dd: {  	v14 =	vadd.f32 v15, v14;
	v15 =	vmul.f32 v45, v10;
	_ =	sdelay $0x1  }
0x1de: {  	v14 =	vadd.f32 v15, v14;
	v15 =	vmul.f32 v46, v11;
	_ =	sdelay $0x1  }
0x1df: {  	v48 =	vor.u32 v4, v13;
	v14 =	vadd.f32 v15, v14;
	v15 =	vmul.f32 v47, v12;
	_ =	sdelay $0x1  }
0x1e0: {  	v14 =	vadd.f32 v15, v14;
	_ =	sdelay $0x1  }
0x1e1: {  	[tilespmem:s19+$0xFFFFFFB0] =	vst v14  }
0x1e2: {  	v14 =	vld.idx.msk [tilespmem:v48+s21+$0x0], $0xffff  }
0x1e3: {  	v15 =	vld [tilespmem:s17+$0xFFFFFFF0]  }
0x1e4: {  	v49 =	vld [tilespmem:$0x230];
	_ =	sdelay $0x1  }
0x1e5: {  	v50 =	vld [tilespmem:$0x2B0];
	_ =	sdelay $0x1  }
0x1e6: {  	v51 =	vld [tilespmem:$0x330]  }
0x1e7: {  	v14 =	vadd.f32 v15, v14;
	v15 =	vmul.f32 v49, v9  }
0x1e8: {  	v52 =	vld [tilespmem:$0x3B0]  }
0x1e9: {  	v14 =	vadd.f32 v15, v14;
	v15 =	vmul.f32 v50, v10;
	_ =	sdelay $0x1  }
0x1ea: {  	v14 =	vadd.f32 v15, v14;
	v15 =	vmul.f32 v51, v11;
	_ =	sdelay $0x1  }
0x1eb: {  	v53 =	vor.u32 v5, v13;
	v14 =	vadd.f32 v15, v14;
	v15 =	vmul.f32 v52, v12;
	_ =	sdelay $0x1  }
0x1ec: {  	v14 =	vadd.f32 v15, v14;
	_ =	sdelay $0x1  }
0x1ed: {  	[tilespmem:s19+$0xFFFFFFC0] =	vst v14  }
0x1ee: {  	v14 =	vld.idx.msk [tilespmem:v53+s21+$0x0], $0xffff  }
0x1ef: {  	v15 =	vld [tilespmem:s17+$0x0]  }
0x1f0: {  	v54 =	vld [tilespmem:$0x240];
	_ =	sdelay $0x1  }
0x1f1: {  	v55 =	vld [tilespmem:$0x2C0];
	_ =	sdelay $0x1  }
0x1f2: {  	v56 =	vld [tilespmem:$0x340]  }
0x1f3: {  	v14 =	vadd.f32 v15, v14;
	v15 =	vmul.f32 v54, v9  }
0x1f4: {  	v57 =	vld [tilespmem:$0x3C0]  }
0x1f5: {  	v17 =	vmul.f32 v55, v10;
	v14 =	vadd.f32 v15, v14;
	_ =	sdelay $0x1  }
0x1f6: {  	v15 =	vmul.f32 v56, v11;
	v14 =	vadd.f32 v17, v14;
	_ =	sdelay $0x1  }
0x1f7: {  	v58 =	vor.u32 v6, v13;
	v14 =	vadd.f32 v15, v14;
	v15 =	vmul.f32 v57, v12;
	_ =	sdelay $0x1  }
0x1f8: {  	v14 =	vadd.f32 v15, v14;
	_ =	sdelay $0x1  }
0x1f9: {  	[tilespmem:s19+$0xFFFFFFD0] =	vst v14  }
0x1fa: {  	v14 =	vld.idx.msk [tilespmem:v58+s21+$0x0], $0xffff  }
0x1fb: {  	v15 =	vld [tilespmem:s17+$0x10]  }
0x1fc: {  	v59 =	vld [tilespmem:$0x250];
	_ =	sdelay $0x1  }
0x1fd: {  	v60 =	vld [tilespmem:$0x2D0];
	_ =	sdelay $0x1  }
0x1fe: {  	v61 =	vld [tilespmem:$0x350]  }
0x1ff: {  	v14 =	vadd.f32 v15, v14;
	v15 =	vmul.f32 v59, v9  }
0x200: {  	v62 =	vld [tilespmem:$0x3D0]  }
0x201: {  	v14 =	vadd.f32 v15, v14;
	v15 =	vmul.f32 v60, v10;
	_ =	sdelay $0x1  }
0x202: {  	v14 =	vadd.f32 v15, v14;
	v15 =	vmul.f32 v61, v11;
	_ =	sdelay $0x1  }
0x203: {  	v63 =	vor.u32 v7, v13;
	v14 =	vadd.f32 v15, v14;
	v15 =	vmul.f32 v62, v12;
	_ =	sdelay $0x1  }
0x204: {  	v14 =	vadd.f32 v15, v14;
	_ =	sdelay $0x1  }
0x205: {  	[tilespmem:s19+$0xFFFFFFE0] =	vst v14  }
0x206: {  	s15 =	simm.s32 $0x4D40;
	s9 =	simm.s32 $0x1;
	s6 =	simm.s32 $0x8DF0;
	v14 =	vld.idx.msk [tilespmem:v63+s21+$0x0], $0xffff  }
.LBB2_8:
0x207: {  	p1 =	sne.s32 s9, $0x7F;
	v15 =	vld [tilespmem:s17+$0x20];
	s15 =	sadd.s32 $0x80, s15;
	s19 =	sadd.s32 $0x80, s19  }
0x208: {  	s0 =	smov.u32 s9;
	s9 =	sadd.s32 $0x1, s9;
	v16 =	vld [tilespmem:$0x260]  }
0x209: {  	v17 =	vld [tilespmem:$0x2E0]  }
0x20a: {  	v18 =	vld [tilespmem:$0x360]  }
0x20b: {  	v19 =	vmov s0;
	v20 =	vld [tilespmem:$0x3E0]  }
0x20c: {  	v14 =	vadd.f32 v15, v14  }
0x20d: {  	v15 =	vmul.f32 v16, v9;
	_ =	sdelay $0x1  }
0x20e: {  	v14 =	vadd.f32 v15, v14;
	v15 =	vmul.f32 v17, v10;
	_ =	sdelay $0x1  }
0x20f: {  	v14 =	vadd.f32 v15, v14;
	v15 =	vmul.f32 v18, v11;
	_ =	sdelay $0x1  }
0x210: {  	v13 =	vor.u32 v8, v13;
	v14 =	vadd.f32 v15, v14;
	v15 =	vmul.f32 v20, v12;
	_ =	sdelay $0x1  }
0x211: {  	v14 =	vadd.f32 v15, v14;
	_ =	sdelay $0x1  }
0x212: {  	[tilespmem:s6+$0xFFFFFFF0] =	vst v14  }
0x213: {  	v14 =	vld [tilespmem:s17+$0x30];
	s17 =	smov.u32 s15  }
0x214: {  	v13 =	vld.idx.msk [tilespmem:v13+s21+$0x0], $0xffff  }
0x215: {  	v15 =	vld [tilespmem:$0x270]  }
0x216: {  	v16 =	vld [tilespmem:$0x2F0]  }
0x217: {  	v17 =	vld [tilespmem:$0x370]  }
0x218: {  	v18 =	vld [tilespmem:$0x3F0];
	_ =	sdelay $0x1  }
0x219: {  	v13 =	vadd.f32 v14, v13;
	v9 =	vmul.f32 v15, v9;
	_ =	sdelay $0x1  }
0x21a: {  	v10 =	vmul.f32 v16, v10;
	v9 =	vadd.f32 v9, v13;
	_ =	sdelay $0x1  }
0x21b: {  	v9 =	vadd.f32 v10, v9;
	v10 =	vmul.f32 v17, v11;
	_ =	sdelay $0x1  }
0x21c: {  	v9 =	vadd.f32 v10, v9;
	v10 =	vmul.f32 v18, v12;
	_ =	sdelay $0x1  }
0x21d: {  	v9 =	vadd.f32 v10, v9;
	_ =	sdelay $0x1  }
0x21e: {  	[tilespmem:s6+$0x0] =	vst v9;
	s6 =	smov.u32 s19  }
0x21f: {  	v9 =	vld.idx.msk [tilespmem:v19+s11+$0x0], $0xffff;
	_ =	sdelay $0x5  }
0x220: {  	v10 =	vshll.u32 v19, $0x7;
	v13 =	vshll.u32 v9, $0x7  }
0x221: {  	v11 =	vor.u32 v0, v13;
	_ =	sdelay $0x1  }
0x222: {  	v12 =	vor.u32 $0x1, v10  }
0x223: {  	v14 =	vld [tilespmem:$0x200]  }
0x224: {  	v15 =	vor.u32 $0x2, v10;
	v9 =	vld.idx.msk [tilespmem:v10+s23+$0x0], $0xffff  }
0x225: {  	v16 =	vld.idx.msk [tilespmem:v11+s21+$0x0], $0xffff  }
0x226: {  	v17 =	vor.u32 $0x3, v10;
	v18 =	vld [tilespmem:s15+$0xFFFFFFC0]  }
0x227: {  	v10 =	vld.idx.msk [tilespmem:v12+s23+$0x0], $0xffff  }
0x228: {  	v19 =	vld [tilespmem:$0x280]  }
0x229: {  	v11 =	vld.idx.msk [tilespmem:v15+s23+$0x0], $0xffff  }
0x22a: {  	v15 =	vld [tilespmem:$0x300]  }
0x22b: {  	v14 =	vmul.f32 v14, v9;
	v12 =	vld.idx.msk [tilespmem:v17+s23+$0x0], $0xffff;
	v16 =	vadd.f32 v18, v16  }
0x22c: {  	v17 =	vld [tilespmem:$0x380]  }
0x22d: {  	v14 =	vadd.f32 v14, v16;
	v16 =	vmul.f32 v19, v10;
	_ =	sdelay $0x1  }
0x22e: {  	v14 =	vadd.f32 v16, v14;
	v15 =	vmul.f32 v15, v11;
	_ =	sdelay $0x1  }
0x22f: {  	v14 =	vadd.f32 v15, v14;
	v15 =	vmul.f32 v17, v12;
	_ =	sdelay $0x1  }
0x230: {  	v14 =	vadd.f32 v15, v14;
	v15 =	vor.u32 v2, v13;
	_ =	sdelay $0x1  }
0x231: {  	[tilespmem:s19+$0xFFFFFF90] =	vst v14  }
0x232: {  	v14 =	vld [tilespmem:$0x310]  }
0x233: {  	v16 =	vld [tilespmem:$0x210]  }
0x234: {  	v15 =	vld.idx.msk [tilespmem:v15+s21+$0x0], $0xffff  }
0x235: {  	v17 =	vld [tilespmem:s15+$0xFFFFFFD0];
	_ =	sdelay $0x1  }
0x236: {  	v18 =	vld [tilespmem:$0x290]  }
0x237: {  	v14 =	vmul.f32 v14, v11;
	_ =	sdelay $0x1  }
0x238: {  	v16 =	vmul.f32 v16, v9;
	v15 =	vadd.f32 v17, v15  }
0x239: {  	v17 =	vld [tilespmem:$0x390]  }
0x23a: {  	v15 =	vadd.f32 v16, v15;
	v16 =	vmul.f32 v18, v10;
	_ =	sdelay $0x1  }
0x23b: {  	v15 =	vadd.f32 v16, v15;
	_ =	sdelay $0x1  }
0x23c: {  	v16 =	vor.u32 v3, v13;
	v14 =	vadd.f32 v14, v15;
	v15 =	vmul.f32 v17, v12;
	_ =	sdelay $0x1  }
0x23d: {  	v14 =	vadd.f32 v15, v14;
	_ =	sdelay $0x1  }
0x23e: {  	[tilespmem:s19+$0xFFFFFFA0] =	vst v14  }
0x23f: {  	v14 =	vld.idx.msk [tilespmem:v16+s21+$0x0], $0xffff  }
0x240: {  	v15 =	vld [tilespmem:s15+$0xFFFFFFE0]  }
0x241: {  	v16 =	vld [tilespmem:$0x220];
	_ =	sdelay $0x1  }
0x242: {  	v17 =	vld [tilespmem:$0x2A0];
	_ =	sdelay $0x1  }
0x243: {  	v14 =	vadd.f32 v15, v14;
	v15 =	vld [tilespmem:$0x320]  }
0x244: {  	v16 =	vmul.f32 v16, v9  }
0x245: {  	v18 =	vld [tilespmem:$0x3A0]  }
0x246: {  	v14 =	vadd.f32 v16, v14;
	v16 =	vmul.f32 v17, v10;
	_ =	sdelay $0x1  }
0x247: {  	v14 =	vadd.f32 v16, v14;
	v15 =	vmul.f32 v15, v11;
	_ =	sdelay $0x1  }
0x248: {  	v16 =	vor.u32 v4, v13;
	v14 =	vadd.f32 v15, v14;
	v15 =	vmul.f32 v18, v12;
	_ =	sdelay $0x1  }
0x249: {  	v14 =	vadd.f32 v15, v14;
	_ =	sdelay $0x1  }
0x24a: {  	[tilespmem:s19+$0xFFFFFFB0] =	vst v14  }
0x24b: {  	v14 =	vld.idx.msk [tilespmem:v16+s21+$0x0], $0xffff  }
0x24c: {  	v15 =	vld [tilespmem:s15+$0xFFFFFFF0]  }
0x24d: {  	v16 =	vld [tilespmem:$0x230];
	_ =	sdelay $0x1  }
0x24e: {  	v17 =	vld [tilespmem:$0x2B0];
	_ =	sdelay $0x1  }
0x24f: {  	v14 =	vadd.f32 v15, v14;
	v15 =	vld [tilespmem:$0x330]  }
0x250: {  	v16 =	vmul.f32 v16, v9  }
0x251: {  	v18 =	vld [tilespmem:$0x3B0]  }
0x252: {  	v14 =	vadd.f32 v16, v14;
	v16 =	vmul.f32 v17, v10;
	_ =	sdelay $0x1  }
0x253: {  	v14 =	vadd.f32 v16, v14;
	v15 =	vmul.f32 v15, v11;
	_ =	sdelay $0x1  }
0x254: {  	v16 =	vor.u32 v5, v13;
	v14 =	vadd.f32 v15, v14;
	v15 =	vmul.f32 v18, v12;
	_ =	sdelay $0x1  }
0x255: {  	v14 =	vadd.f32 v15, v14;
	_ =	sdelay $0x1  }
0x256: {  	[tilespmem:s19+$0xFFFFFFC0] =	vst v14  }
0x257: {  	v14 =	vld.idx.msk [tilespmem:v16+s21+$0x0], $0xffff  }
0x258: {  	v15 =	vld [tilespmem:s15+$0x0]  }
0x259: {  	v16 =	vld [tilespmem:$0x240]  }
0x25a: {  	v17 =	vld [tilespmem:$0x2C0];
	_ =	sdelay $0x2  }
0x25b: {  	v14 =	vadd.f32 v15, v14;
	v15 =	vld [tilespmem:$0x340]  }
0x25c: {  	v16 =	vmul.f32 v16, v9  }
0x25d: {  	v17 =	vmul.f32 v17, v10;
	v18 =	vld [tilespmem:$0x3C0]  }
0x25e: {  	v14 =	vadd.f32 v16, v14;
	_ =	sdelay $0x1  }
0x25f: {  	v14 =	vadd.f32 v17, v14;
	v15 =	vmul.f32 v15, v11;
	_ =	sdelay $0x1  }
0x260: {  	v16 =	vor.u32 v6, v13;
	v14 =	vadd.f32 v15, v14;
	v15 =	vmul.f32 v18, v12;
	_ =	sdelay $0x1  }
0x261: {  	v14 =	vadd.f32 v15, v14;
	_ =	sdelay $0x1  }
0x262: {  	[tilespmem:s19+$0xFFFFFFD0] =	vst v14  }
0x263: {  	v14 =	vld.idx.msk [tilespmem:v16+s21+$0x0], $0xffff  }
0x264: {  	v15 =	vld [tilespmem:s15+$0x10]  }
0x265: {  	v16 =	vld [tilespmem:$0x250]  }
0x266: {  	v17 =	vld [tilespmem:$0x2D0]  }
0x267: {  	v18 =	vld [tilespmem:$0x350]  }
0x268: {  	v19 =	vld [tilespmem:$0x3D0]  }
0x269: {  	v14 =	vadd.f32 v15, v14  }
0x26a: {  	v15 =	vmul.f32 v16, v9;
	_ =	sdelay $0x1  }
0x26b: {  	v14 =	vadd.f32 v15, v14;
	v15 =	vmul.f32 v17, v10;
	_ =	sdelay $0x1  }
0x26c: {  	v14 =	vadd.f32 v15, v14;
	v15 =	vmul.f32 v18, v11;
	_ =	sdelay $0x1  }
0x26d: {  	v16 =	vor.u32 v7, v13;
	v14 =	vadd.f32 v15, v14;
	v15 =	vmul.f32 v19, v12  }
.Ltmp2:
0x26e: {  	(pc) =	sbr.rel @p1 .LBB2_8-.Ltmp2, $3  }
0x26f: {  	v14 =	vadd.f32 v15, v14;
	_ =	sdelay $0x1  }
0x270: {  	[tilespmem:s19+$0xFFFFFFE0] =	vst v14  }
0x271: {  	v14 =	vld.idx.msk [tilespmem:v16+s21+$0x0], $0xffff  }
0x272: {  	v15 =	vld [tilespmem:s17+$0x20]  }
0x273: {  	v16 =	vld [tilespmem:$0x260];
	_ =	sdelay $0x1  }
0x274: {  	v17 =	vld [tilespmem:$0x2E0];
	_ =	sdelay $0x1  }
0x275: {  	v18 =	vld [tilespmem:$0x360]  }
0x276: {  	v14 =	vadd.f32 v15, v14;
	v52 =	vmul.f32 v16, v9  }
0x277: {  	v53 =	vld [tilespmem:$0x3E0]  }
0x278: {  	v54 =	vmul.f32 v17, v10;
	v14 =	vadd.f32 v52, v14;
	_ =	sdelay $0x1  }
0x279: {  	v55 =	vmul.f32 v18, v11;
	v14 =	vadd.f32 v54, v14;
	_ =	sdelay $0x1  }
0x27a: {  	v56 =	vmul.f32 v53, v12;
	v14 =	vadd.f32 v55, v14  }
0x27b: {  	v13 =	vor.u32 v8, v13  }
0x27c: {  	v14 =	vadd.f32 v56, v14;
	_ =	sdelay $0x1  }
0x27d: {  	[tilespmem:s6+$0xFFFFFFF0] =	vst v14  }
0x27e: {  	v14 =	vld [tilespmem:s17+$0x30]  }
0x27f: {  	v13 =	vld.idx.msk [tilespmem:v13+s21+$0x0], $0xffff  }
0x280: {  	v57 =	vld [tilespmem:$0x270];
	_ =	sdelay $0x1  }
0x281: {  	v58 =	vld [tilespmem:$0x2F0];
	_ =	sdelay $0x1  }
0x282: {  	v59 =	vld [tilespmem:$0x370]  }
0x283: {  	v13 =	vadd.f32 v14, v13;
	v9 =	vmul.f32 v57, v9  }
0x284: {  	v60 =	vld [tilespmem:$0x3F0]  }
0x285: {  	v10 =	vmul.f32 v58, v10;
	v9 =	vadd.f32 v9, v13;
	_ =	sdelay $0x1  }
0x286: {  	v9 =	vadd.f32 v10, v9;
	v10 =	vmul.f32 v59, v11;
	_ =	sdelay $0x1  }
0x287: {  	v9 =	vadd.f32 v10, v9;
	v10 =	vmul.f32 v60, v12  }
0x288: {  	s0 =	sshll.u32 s13, $0xE  }
0x289: {  	s0 =	sadd.s32 s0, s10;
	v9 =	vadd.f32 v10, v9  }
0x28a: {  	s0 =	sshrl.u32 s0, $0x3  }
0x28b: {  	s0 =	sadd.s32 s14, s0;
	[tilespmem:s6+$0x0] =	vst v9  }
0x28c: {  	[hbm4b:s0+s8] =	stream.linear.scatter [tilespmem:s5], [sflag:$0x2], $0x4000, $0x38;
	[tilespmem:$0x11700] =	vst v63  }
0x28d: {  	_ =	swait.ge [sflag:s18], $0x4000  }
0x28e: {  	[sflag:s18] =	ssyncset.done $0x0  }
0x28f: {  	[sflag:s18] =	ssyncadd.s32 $0xFFFFC000  }
0x290: {  	v9 =	vld [tilespmem:$0xCD00]  }
0x291: {  	v10 =	vld [tilespmem:$0xCD10]  }
0x292: {  	v11 =	vld [tilespmem:$0xCD20]  }
0x293: {  	v61 =	vld [tilespmem:$0xCD30]  }
0x294: {  	v62 =	vld [tilespmem:$0xCD40]  }
0x295: {  	v63 =	vld [tilespmem:$0xCD50];
	[tilespmem:$0x8D00] =	vst v9  }
0x296: {  	s13 =	sadd.s32 $0x1, s13;
	[tilespmem:$0x8D10] =	vst v10;
	v10 =	vld [tilespmem:$0xCD60]  }
0x297: {  	p1 =	sne.s32 s13, $0x10;
	[tilespmem:$0x8D20] =	vst v11;
	v11 =	vld [tilespmem:$0xCD70]  }
.Ltmp3:
0x298: {  	[tilespmem:$0x8D30] =	vst v61;
	(pc) =	sbr.rel @p1 .LBB2_7-.Ltmp3, $4  }
0x299: {  	[tilespmem:$0x8D40] =	vst v62  }
0x29a: {  	[tilespmem:$0x8D50] =	vst v63  }
0x29b: {  	[tilespmem:$0x8D60] =	vst v10  }
0x29c: {  	[tilespmem:$0x8D70] =	vst v11  }
0x29d: {  	v10 =	vld [tilespmem:$0x900]  }
0x29e: {  	v11 =	vld [tilespmem:$0x980]  }
0x29f: {  	v12 =	vld [tilespmem:$0x8D10]  }
0x2a0: {  	v13 =	vld [tilespmem:$0x910]  }
0x2a1: {  	[tilespmem:$0x11500] =	vst v9;
	v9 =	vld [tilespmem:$0x990]  }
0x2a2: {  	v57 =	vld [tilespmem:$0x9A0];
	[tilespmem:$0x11580] =	vst v10  }
0x2a3: {  	v10 =	vld [tilespmem:$0x8D20];
	[tilespmem:$0x11600] =	vst v11  }
0x2a4: {  	v11 =	vld [tilespmem:$0x920];
	[tilespmem:$0x11510] =	vst v12  }
0x2a5: {  	v58 =	vld [tilespmem:$0x8D30];
	[tilespmem:$0x11590] =	vst v13  }
0x2a6: {  	v59 =	vld [tilespmem:$0x940];
	[tilespmem:$0x11610] =	vst v9  }
0x2a7: {  	v9 =	vld [tilespmem:$0x930];
	[tilespmem:$0x11620] =	vst v57  }
0x2a8: {  	[tilespmem:$0x11520] =	vst v10;
	v10 =	vld [tilespmem:$0x9B0]  }
0x2a9: {  	[tilespmem:$0x115A0] =	vst v11;
	v11 =	vld [tilespmem:$0x8D40]  }
0x2aa: {  	v60 =	vld [tilespmem:$0x9C0];
	[tilespmem:$0x11530] =	vst v58  }
0x2ab: {  	v61 =	vld [tilespmem:$0x8D60];
	[tilespmem:$0x115C0] =	vst v59  }
0x2ac: {  	[tilespmem:$0x115B0] =	vst v9;
	v9 =	vld [tilespmem:$0x8D50]  }
0x2ad: {  	[tilespmem:$0x11630] =	vst v10;
	v10 =	vld [tilespmem:$0x950]  }
0x2ae: {  	[tilespmem:$0x11540] =	vst v11;
	v11 =	vld [tilespmem:$0x9D0]  }
0x2af: {  	v62 =	vld [tilespmem:$0x960];
	[tilespmem:$0x11640] =	vst v60  }
0x2b0: {  	v63 =	vld [tilespmem:$0x9F0];
	[tilespmem:$0x11560] =	vst v61  }
0x2b1: {  	[tilespmem:$0x11550] =	vst v9;
	v9 =	vld [tilespmem:$0x9E0]  }
0x2b2: {  	[tilespmem:$0x115D0] =	vst v10;
	v10 =	vld [tilespmem:$0x8D70]  }
0x2b3: {  	[tilespmem:$0x11650] =	vst v11;
	v11 =	vld [tilespmem:$0x970]  }
0x2b4: {  	[tilespmem:$0x115E0] =	vst v62  }
0x2b5: {  	[tilespmem:$0x11670] =	vst v63  }
0x2b6: {  	s0 =	sshrl.u32 s20, $0x3;
	[tilespmem:$0x11660] =	vst v9  }
0x2b7: {  	s0 =	sadd.s32 s14, s0;
	[tilespmem:$0x11570] =	vst v10  }
.Ltmp4:
0x2b8: {  	s6 =	simm.s32 $0x11500;
	s0 =	sadd.s32 $0xA000, s0;
	[tilespmem:$0x115F0] =	vst v11;
	(pc) =	sbr.rel @p0 .LBB2_2-.Ltmp4, $4  }
0x2b9: {  	[hbm4b:s0+s8] =	stream.linear.scatter [tilespmem:s6], [sflag:$0x2], $0x180, $0x38;
	[tilespmem:$0x11700] =	vst v63  }
0x2ba: {  	_ =	swait.ge [sflag:s18], $0x180  }
0x2bb: {  	[sflag:s18] =	ssyncset.done $0x0  }
0x2bc: {  	p1 =	por $0x0, $0x0;
	s6 =	simm.s32 $0x1;
	[sflag:s18] =	ssyncadd.s32 $0xFFFFFE80  }
0x2bd: {  	s6 =	rddreg [dreg:$0xf]  }
0x2be: {  	s0 =	rddreg [dreg:$0xe];
	s6 =	sadd.s32 $0x1, s6  }
0x2bf: {  	p0 =	sne.s32 s6, s0  }
.Ltmp5:
0x2c0: {  	_ = 	snop;
	(pc) =	sbr.rel @p0 .LBB2_1-.Ltmp5, $1  }
0x2c1: {  	_ =	sdelay $0x3  }
0x2c2: {  	_ =	sfence.sel $0x180000  }
0x2c3: {  	[bflag:$0x0] =	sbarrier.arrive $0xFFFF  }
0x2c4: {  	_ =	strace $0x90000047  }
0x2c5: {  	s0 =	stileid.u32;
	[bflag:$0x2] =	sbarrier.arrive $0xFFFF  }
0x2c6: {  	p0 =	sne.s32 s0, $0x0;
	s0 =	rddreg [dreg:$0x8]  }
0x2c7: {  	s0 =	sadd.s32 @!p0 $0x100000, s0  }
0x2c8: {  	[sflag:s0] =	ssyncadd.tile.s32 @!p0 $0x1;
	_ =	shalt  }
.Lfunc_end2:
_tile_overlayer_lowered:
.L_overlay_start_2:
0x2c9: {  	(tag) =	ssettag $0x2  }
0x2ca: {  	s0 =	rddreg [dreg:$0x0];
	s2 =	stileid.u32  }
0x2cb: {  	s1 =	rddreg [dreg:$0x1];
	p0 =	sne.s32 s2, $0x0  }
0x2cc: {  	s3 =	rddreg [dreg:$0x2];
	[bflag:$0x3] =	sbarrier.arrive $0xFFFF;
	s2 =	simm.s32 @!p0 $0x1C02  }
0x2cd: {  	[timem:s3], [sflag:s2] =	dma.local @!p0 [hbm:s0], s1  }
0x2ce: {  	s0 =	simm.s32 @!p0 $0x2  }
0x2cf: {  	_ =	swait.ge @!p0 [sflag:s0], s1  }
0x2d0: {  	s1 =	ssub.s32 @!p0 $0x0, s1;
	[sflag:s0] =	ssyncset.done @!p0 $0x0  }
0x2d1: {  	[sflag:s0] =	ssyncadd.s32 @!p0 s1  }
0x2d2: {  	[bflag:$0x3] =	sbarrier.arrive $0xFFFF  }
0x2d3: {  	_ =	shalt  }

</sc_bundles>
